<compile_context>
chip_gen: v7x
topology: tpu7x:2x2x1
jax: 0.10.2.dev20260603
libtpu: 0.0.44.dev20260713+nightly
codegen_flags: <defaults>
</compile_context>

<pallas_src>
import functools

import jax
import jax.numpy as jnp
from jax import lax
from jax.experimental import pallas as pl
from jax.experimental.pallas import tpu as pltpu
from jax.experimental.pallas import tpu_sc as plsc

_NUM_CORES = 2
_NUM_SUBCORES = 16
_NUM_WORKERS = _NUM_CORES * _NUM_SUBCORES

_SG = 2


@functools.lru_cache(maxsize=None)
def _build(b: int, s: int, d: int):
    rw = b // _NUM_WORKERS
    n_grp = s // _SG
    assert rw * _NUM_WORKERS == b and rw == 128
    assert d == 64
    assert n_grp * _SG == s and n_grp % 2 == 0 and n_grp >= 6

    mesh = plsc.VectorSubcoreMesh(core_axis_name="c", subcore_axis_name="s")

    @functools.partial(
        pl.kernel,
        out_type=jax.ShapeDtypeStruct((s, d // 8, b // 128, 8, 128),
                                      jnp.float32),
        mesh=mesh,
        scratch_types=[
            pltpu.VMEM((rw, s), jnp.int32),
            pltpu.VMEM((s * rw,), jnp.int32),
            pltpu.VMEM((_SG, rw, d), jnp.float32),
            pltpu.VMEM((_SG, rw, d), jnp.float32),
            pltpu.VMEM((_SG, 8, 8, 129), jnp.float32),
            pltpu.VMEM((_SG, 8, 8, 129), jnp.float32),
            pltpu.SemaphoreType.DMA,
            pltpu.SemaphoreType.DMA,
            pltpu.SemaphoreType.DMA,
            pltpu.SemaphoreType.DMA,
        ],
        compiler_params=pltpu.CompilerParams(use_tc_tiling_on_sc=False,
                                             needs_layout_passes=False),
    )
    def gather_kernel(words_hbm, table_hbm, out5, idx_b, idx_t,
                      rows_a, rows_b, t_a, t_b, gs_a, gs_b, os_a, os_b):
        wid = lax.axis_index("s") * _NUM_CORES + lax.axis_index("c")
        pltpu.sync_copy(words_hbm.at[pl.ds(wid * rw, rw)], idx_b)

        iota = lax.iota(jnp.int32, 16)
        zeros16 = jnp.zeros((16,), jnp.int32)

        @plsc.parallel_loop(0, s, unroll=2)
        def t_idx(s_):
            sv = zeros16 + s_
            vs = [plsc.load_gather(idx_b, [iota + j * 16, sv])
                  for j in range(rw // 16)]
            for j in range(rw // 16):
                idx_t[pl.ds(s_ * rw + j * 16, 16)] = vs[j]

        def g_start(g, rows, sem):
            for j in range(_SG):
                pltpu.async_copy(
                    table_hbm.at[idx_t.at[pl.ds((g * _SG + j) * rw, rw)]],
                    rows.at[j], sem)

        def g_wait(g, rows, sem):
            for j in range(_SG):
                pltpu.make_async_copy(
                    table_hbm.at[idx_t.at[pl.ds((g * _SG + j) * rw, rw)]],
                    rows.at[j], sem).wait()

        def s_start(g, t, sem):
            pltpu.async_copy(t.at[:, :, :, pl.ds(0, 128)],
                             out5.at[pl.ds(g * _SG, _SG), :, wid], sem)

        def s_wait(g, t, sem):
            pltpu.make_async_copy(
                t.at[:, :, :, pl.ds(0, 128)],
                out5.at[pl.ds(g * _SG, _SG), :, wid], sem).wait()

        dr0 = iota // 8
        di0 = iota % 8

        def transpose(rows, t):
            @plsc.parallel_loop(0, rw, unroll=4)
            def tb(bi):
                bv = zeros16 + bi
                vs = [rows[sl, bi, pl.ds(d0, 16)]
                      for sl in range(_SG) for d0 in range(0, d, 16)]
                k = 0
                for sl in range(_SG):
                    for d0 in range(0, d, 16):
                        plsc.store_scatter(
                            t, [zeros16 + sl, dr0 + (d0 // 8), di0, bv],
                            vs[k])
                        k += 1

        n_pair = n_grp // 2

        g_start(0, rows_a, gs_a)
        g_start(1, rows_b, gs_b)

        def pair(i, carry):
            g0 = 2 * i
            g1 = g0 + 1

            @pl.when(i > 0)
            def _():
                s_wait(g0 - 2, t_a, os_a)

            g_wait(g0, rows_a, gs_a)
            transpose(rows_a, t_a)

            @pl.when(i < n_pair - 1)
            def _():
                g_start(g0 + 2, rows_a, gs_a)

            s_start(g0, t_a, os_a)

            @pl.when(i > 0)
            def _():
                s_wait(g1 - 2, t_b, os_b)

            g_wait(g1, rows_b, gs_b)
            transpose(rows_b, t_b)

            @pl.when(i < n_pair - 1)
            def _():
                g_start(g1 + 2, rows_b, gs_b)

            s_start(g1, t_b, os_b)
            return carry

        lax.fori_loop(0, n_pair, pair, 0)

        s_wait(n_grp - 2, t_a, os_a)
        s_wait(n_grp - 1, t_b, os_b)

    return gather_kernel


def kernel(words, table):
    b, s = words.shape
    _, d = table.shape
    out5 = _build(b, s, d)(words.astype(jnp.int32), table)
    return jnp.transpose(out5, (2, 4, 0, 1, 3)).reshape(b, s, d)

# --- scband reference (transcript-rebuilt; emitter-appended) ---
"""Pipeline reference for scband-contextual-embedding-47785806135708 (READ-ONLY COPY).

The authoritative reference and input builder live on the scoring server;
editing this copy changes nothing except your own understanding.
"""

import jax, jax.numpy as jnp
import numpy as np

VOCAB = 100000
EMBED_DIM = 64
BATCH = 4096
SEQ = 200

def setup_inputs(seed: int = 0) -> dict:
    key = jax.random.key(seed)
    k1, k2 = jax.random.split(key)
    words = jax.random.randint(k1, (BATCH, SEQ), 0, VOCAB, dtype=jnp.int64 if jax.config.jax_enable_x64 else jnp.int32)
    table = jax.random.normal(k2, (VOCAB, EMBED_DIM), dtype=jnp.float32) * 0.02
    return {"words": words, "table": table}

def reference(words, table):
    # ContextualEmbedding is abstract; the concrete forward path is an embedding
    # lookup over token ids (the dynamic/cached path reduces to table gather
    # when no sentence cache is present). Padding idx 0 rows pass through as-is
    # (its vector acts as the pad vector).
    embeds = jnp.take(table, words, axis=0)  # [B, S, D]
    return embeds

if __name__ == "__main__":
    import jax
    _d = setup_inputs()
    print(jax.jit(kernel)(*tuple(_d.values())))

</pallas_src>

<mosaic_0001>
#map = affine_map<(d0, d1) -> (0, 0)>
#map1 = affine_map<(d0, d1) -> (0, 0, 0, 0, 0)>
module attributes {stable_mosaic.version = 14 : i64} {
  func.func @gather_kernel(%arg0: i32, %arg1: i32, %arg2: memref<4096x200xi32, #tpu.memory_space<hbm>>, %arg3: memref<100000x64xf32, #tpu.memory_space<hbm>>, %arg4: memref<200x8x32x8x128xf32, #tpu.memory_space<hbm>>, %arg5: memref<128x200xi32, #tpu.memory_space<vmem>>, %arg6: memref<25600xi32, #tpu.memory_space<vmem>>, %arg7: memref<2x128x64xf32, #tpu.memory_space<vmem>>, %arg8: memref<2x128x64xf32, #tpu.memory_space<vmem>>, %arg9: memref<2x8x8x129xf32, #tpu.memory_space<vmem>>, %arg10: memref<2x8x8x129xf32, #tpu.memory_space<vmem>>, %arg11: memref<!tpu.dma_semaphore, #tpu.memory_space<semaphore_mem>>, %arg12: memref<!tpu.dma_semaphore, #tpu.memory_space<semaphore_mem>>, %arg13: memref<!tpu.dma_semaphore, #tpu.memory_space<semaphore_mem>>, %arg14: memref<!tpu.dma_semaphore, #tpu.memory_space<semaphore_mem>>) attributes {dimension_semantics = [#tpu.dimension_semantics<core_parallel>, #tpu.dimension_semantics<subcore_parallel>], iteration_bounds = array<i64: 2, 16>, scalar_prefetch = 0 : i64, scratch_operands = 10 : i64, tpu.core_type = #tpu.core_type<sc_vector_subcore>, window_params = [{transform_indices = #map}, {transform_indices = #map}, {transform_indices = #map1}]} {
    %mul3A = arith.constant 2 : i32
    %mul3A_0 = arith.muli %arg1, %mul3A : i32
    %add3A = arith.addi %mul3A_0, %arg0 : i32
    %mul3A_1 = arith.constant 128 : i32
    %mul3A_2 = arith.muli %add3A, %mul3A_1 : i32
    "tpu.region"() ({
      %run_scoped3A = tpu.sem_alloc : memref<!tpu.dma_semaphore, #tpu.memory_space<semaphore_mem>>
      %dma_start3A_136 = arith.constant 0 : i32
      %dma_start3A_137 = tpu.memref_slice %arg2[%mul3A_2, %dma_start3A_136] : memref<4096x200xi32, #tpu.memory_space<hbm>> -> memref<128x200xi32, #tpu.memory_space<hbm>>
      %dma_start3A_138 = arith.constant 0 : i32
      %dma_start3A_139 = tpu.memref_slice %arg2[%mul3A_2, %dma_start3A_138] : memref<4096x200xi32, #tpu.memory_space<hbm>> -> memref<128x200xi32, #tpu.memory_space<hbm>>
      tpu.enqueue_dma source(%dma_start3A_139 : memref<128x200xi32, #tpu.memory_space<hbm>>) target(%arg5 : memref<128x200xi32, #tpu.memory_space<vmem>>) target_semaphore(%run_scoped3A : memref<!tpu.dma_semaphore, #tpu.memory_space<semaphore_mem>>)
      %dma_wait3A_140 = arith.constant 0 : i32
      %dma_wait3A_141 = tpu.memref_slice %arg2[%mul3A_2, %dma_wait3A_140] : memref<4096x200xi32, #tpu.memory_space<hbm>> -> memref<128x200xi32, #tpu.memory_space<hbm>>
      %dma_wait3A_142 = arith.constant 0 : i32
      %dma_wait3A_143 = tpu.memref_slice %arg2[%mul3A_2, %dma_wait3A_142] : memref<4096x200xi32, #tpu.memory_space<hbm>> -> memref<128x200xi32, #tpu.memory_space<hbm>>
      tpu.wait_dma2 semaphore(%run_scoped3A : memref<!tpu.dma_semaphore, #tpu.memory_space<semaphore_mem>>) src(%dma_wait3A_143 : memref<128x200xi32, #tpu.memory_space<hbm>>) dst(%arg5 : memref<128x200xi32, #tpu.memory_space<vmem>>)
      tpu.yield
    }) : () -> ()
    %iota3A = tpu.iota {dimensions = array<i32: 0>} : vector<16xi32>
    %broadcast_in_dim3A = arith.constant 0 : i32
    %broadcast_in_dim3A_3 = vector.broadcast %broadcast_in_dim3A : i32 to vector<16xi32>
    %parallel_loop3A = arith.constant 0 : i32
    %parallel_loop3A_4 = arith.constant 200 : i32
    %parallel_loop3A_5 = arith.constant 1 : i32
    scf.for %parallel_loop3A_136 = %parallel_loop3A to %parallel_loop3A_4 step %parallel_loop3A_5  : i32 {
      %parallel_loop3A_137 = vector.broadcast %parallel_loop3A_136 : i32 to vector<16xi32>
      %parallel_loop3A_138 = arith.addi %broadcast_in_dim3A_3, %parallel_loop3A_137 : vector<16xi32>
      %parallel_loop3A_139 = arith.constant 0 : i32
      %parallel_loop3A_140 = vector.broadcast %parallel_loop3A_139 : i32 to vector<16xi32>
      %parallel_loop3A_141 = arith.addi %iota3A, %parallel_loop3A_140 : vector<16xi32>
      %parallel_loop3A_142 = tpu.vector_load_idx %arg5[%parallel_loop3A_141, %parallel_loop3A_138] : memref<128x200xi32, #tpu.memory_space<vmem>>[vector<16xi32>, vector<16xi32>], vector<16xi32>,
      %parallel_loop3A_143 = arith.constant 16 : i32
      %parallel_loop3A_144 = vector.broadcast %parallel_loop3A_143 : i32 to vector<16xi32>
      %parallel_loop3A_145 = arith.addi %iota3A, %parallel_loop3A_144 : vector<16xi32>
      %parallel_loop3A_146 = tpu.vector_load_idx %arg5[%parallel_loop3A_145, %parallel_loop3A_138] : memref<128x200xi32, #tpu.memory_space<vmem>>[vector<16xi32>, vector<16xi32>], vector<16xi32>,
      %parallel_loop3A_147 = arith.constant 32 : i32
      %parallel_loop3A_148 = vector.broadcast %parallel_loop3A_147 : i32 to vector<16xi32>
      %parallel_loop3A_149 = arith.addi %iota3A, %parallel_loop3A_148 : vector<16xi32>
      %parallel_loop3A_150 = tpu.vector_load_idx %arg5[%parallel_loop3A_149, %parallel_loop3A_138] : memref<128x200xi32, #tpu.memory_space<vmem>>[vector<16xi32>, vector<16xi32>], vector<16xi32>,
      %parallel_loop3A_151 = arith.constant 48 : i32
      %parallel_loop3A_152 = vector.broadcast %parallel_loop3A_151 : i32 to vector<16xi32>
      %parallel_loop3A_153 = arith.addi %iota3A, %parallel_loop3A_152 : vector<16xi32>
      %parallel_loop3A_154 = tpu.vector_load_idx %arg5[%parallel_loop3A_153, %parallel_loop3A_138] : memref<128x200xi32, #tpu.memory_space<vmem>>[vector<16xi32>, vector<16xi32>], vector<16xi32>,
      %parallel_loop3A_155 = arith.constant 64 : i32
      %parallel_loop3A_156 = vector.broadcast %parallel_loop3A_155 : i32 to vector<16xi32>
      %parallel_loop3A_157 = arith.addi %iota3A, %parallel_loop3A_156 : vector<16xi32>
      %parallel_loop3A_158 = tpu.vector_load_idx %arg5[%parallel_loop3A_157, %parallel_loop3A_138] : memref<128x200xi32, #tpu.memory_space<vmem>>[vector<16xi32>, vector<16xi32>], vector<16xi32>,
      %parallel_loop3A_159 = arith.constant 80 : i32
      %parallel_loop3A_160 = vector.broadcast %parallel_loop3A_159 : i32 to vector<16xi32>
      %parallel_loop3A_161 = arith.addi %iota3A, %parallel_loop3A_160 : vector<16xi32>
      %parallel_loop3A_162 = tpu.vector_load_idx %arg5[%parallel_loop3A_161, %parallel_loop3A_138] : memref<128x200xi32, #tpu.memory_space<vmem>>[vector<16xi32>, vector<16xi32>], vector<16xi32>,
      %parallel_loop3A_163 = arith.constant 96 : i32
      %parallel_loop3A_164 = vector.broadcast %parallel_loop3A_163 : i32 to vector<16xi32>
      %parallel_loop3A_165 = arith.addi %iota3A, %parallel_loop3A_164 : vector<16xi32>
      %parallel_loop3A_166 = tpu.vector_load_idx %arg5[%parallel_loop3A_165, %parallel_loop3A_138] : memref<128x200xi32, #tpu.memory_space<vmem>>[vector<16xi32>, vector<16xi32>], vector<16xi32>,
      %parallel_loop3A_167 = arith.constant 112 : i32
      %parallel_loop3A_168 = vector.broadcast %parallel_loop3A_167 : i32 to vector<16xi32>
      %parallel_loop3A_169 = arith.addi %iota3A, %parallel_loop3A_168 : vector<16xi32>
      %parallel_loop3A_170 = tpu.vector_load_idx %arg5[%parallel_loop3A_169, %parallel_loop3A_138] : memref<128x200xi32, #tpu.memory_space<vmem>>[vector<16xi32>, vector<16xi32>], vector<16xi32>,
      %parallel_loop3A_171 = arith.constant 128 : i32
      %parallel_loop3A_172 = arith.muli %parallel_loop3A_136, %parallel_loop3A_171 : i32
      %parallel_loop3A_173 = arith.constant 0 : i32
      %parallel_loop3A_174 = arith.addi %parallel_loop3A_172, %parallel_loop3A_173 : i32
      %parallel_loop3A_175 = arith.index_cast %parallel_loop3A_174 : i32 to index
      %parallel_loop3A_176 = tpu.vector_load %arg6[%parallel_loop3A_175] {strides = array<i32>} : memref<25600xi32, #tpu.memory_space<vmem>>, vector<16xi32>,
      tpu.vector_store %arg6[%parallel_loop3A_175], %parallel_loop3A_142 {strides = array<i32>} : memref<25600xi32, #tpu.memory_space<vmem>>, vector<16xi32>,
      %parallel_loop3A_177 = arith.constant 128 : i32
      %parallel_loop3A_178 = arith.muli %parallel_loop3A_136, %parallel_loop3A_177 : i32
      %parallel_loop3A_179 = arith.constant 16 : i32
      %parallel_loop3A_180 = arith.addi %parallel_loop3A_178, %parallel_loop3A_179 : i32
      %parallel_loop3A_181 = arith.index_cast %parallel_loop3A_180 : i32 to index
      %parallel_loop3A_182 = tpu.vector_load %arg6[%parallel_loop3A_181] {strides = array<i32>} : memref<25600xi32, #tpu.memory_space<vmem>>, vector<16xi32>,
      tpu.vector_store %arg6[%parallel_loop3A_181], %parallel_loop3A_146 {strides = array<i32>} : memref<25600xi32, #tpu.memory_space<vmem>>, vector<16xi32>,
      %parallel_loop3A_183 = arith.constant 128 : i32
      %parallel_loop3A_184 = arith.muli %parallel_loop3A_136, %parallel_loop3A_183 : i32
      %parallel_loop3A_185 = arith.constant 32 : i32
      %parallel_loop3A_186 = arith.addi %parallel_loop3A_184, %parallel_loop3A_185 : i32
      %parallel_loop3A_187 = arith.index_cast %parallel_loop3A_186 : i32 to index
      %parallel_loop3A_188 = tpu.vector_load %arg6[%parallel_loop3A_187] {strides = array<i32>} : memref<25600xi32, #tpu.memory_space<vmem>>, vector<16xi32>,
      tpu.vector_store %arg6[%parallel_loop3A_187], %parallel_loop3A_150 {strides = array<i32>} : memref<25600xi32, #tpu.memory_space<vmem>>, vector<16xi32>,
      %parallel_loop3A_189 = arith.constant 128 : i32
      %parallel_loop3A_190 = arith.muli %parallel_loop3A_136, %parallel_loop3A_189 : i32
      %parallel_loop3A_191 = arith.constant 48 : i32
      %parallel_loop3A_192 = arith.addi %parallel_loop3A_190, %parallel_loop3A_191 : i32
      %parallel_loop3A_193 = arith.index_cast %parallel_loop3A_192 : i32 to index
      %parallel_loop3A_194 = tpu.vector_load %arg6[%parallel_loop3A_193] {strides = array<i32>} : memref<25600xi32, #tpu.memory_space<vmem>>, vector<16xi32>,
      tpu.vector_store %arg6[%parallel_loop3A_193], %parallel_loop3A_154 {strides = array<i32>} : memref<25600xi32, #tpu.memory_space<vmem>>, vector<16xi32>,
      %parallel_loop3A_195 = arith.constant 128 : i32
      %parallel_loop3A_196 = arith.muli %parallel_loop3A_136, %parallel_loop3A_195 : i32
      %parallel_loop3A_197 = arith.constant 64 : i32
      %parallel_loop3A_198 = arith.addi %parallel_loop3A_196, %parallel_loop3A_197 : i32
      %parallel_loop3A_199 = arith.index_cast %parallel_loop3A_198 : i32 to index
      %parallel_loop3A_200 = tpu.vector_load %arg6[%parallel_loop3A_199] {strides = array<i32>} : memref<25600xi32, #tpu.memory_space<vmem>>, vector<16xi32>,
      tpu.vector_store %arg6[%parallel_loop3A_199], %parallel_loop3A_158 {strides = array<i32>} : memref<25600xi32, #tpu.memory_space<vmem>>, vector<16xi32>,
      %parallel_loop3A_201 = arith.constant 128 : i32
      %parallel_loop3A_202 = arith.muli %parallel_loop3A_136, %parallel_loop3A_201 : i32
      %parallel_loop3A_203 = arith.constant 80 : i32
      %parallel_loop3A_204 = arith.addi %parallel_loop3A_202, %parallel_loop3A_203 : i32
      %parallel_loop3A_205 = arith.index_cast %parallel_loop3A_204 : i32 to index
      %parallel_loop3A_206 = tpu.vector_load %arg6[%parallel_loop3A_205] {strides = array<i32>} : memref<25600xi32, #tpu.memory_space<vmem>>, vector<16xi32>,
      tpu.vector_store %arg6[%parallel_loop3A_205], %parallel_loop3A_162 {strides = array<i32>} : memref<25600xi32, #tpu.memory_space<vmem>>, vector<16xi32>,
      %parallel_loop3A_207 = arith.constant 128 : i32
      %parallel_loop3A_208 = arith.muli %parallel_loop3A_136, %parallel_loop3A_207 : i32
      %parallel_loop3A_209 = arith.constant 96 : i32
      %parallel_loop3A_210 = arith.addi %parallel_loop3A_208, %parallel_loop3A_209 : i32
      %parallel_loop3A_211 = arith.index_cast %parallel_loop3A_210 : i32 to index
      %parallel_loop3A_212 = tpu.vector_load %arg6[%parallel_loop3A_211] {strides = array<i32>} : memref<25600xi32, #tpu.memory_space<vmem>>, vector<16xi32>,
      tpu.vector_store %arg6[%parallel_loop3A_211], %parallel_loop3A_166 {strides = array<i32>} : memref<25600xi32, #tpu.memory_space<vmem>>, vector<16xi32>,
      %parallel_loop3A_213 = arith.constant 128 : i32
      %parallel_loop3A_214 = arith.muli %parallel_loop3A_136, %parallel_loop3A_213 : i32
      %parallel_loop3A_215 = arith.constant 112 : i32
      %parallel_loop3A_216 = arith.addi %parallel_loop3A_214, %parallel_loop3A_215 : i32
      %parallel_loop3A_217 = arith.index_cast %parallel_loop3A_216 : i32 to index
      %parallel_loop3A_218 = tpu.vector_load %arg6[%parallel_loop3A_217] {strides = array<i32>} : memref<25600xi32, #tpu.memory_space<vmem>>, vector<16xi32>,
      tpu.vector_store %arg6[%parallel_loop3A_217], %parallel_loop3A_170 {strides = array<i32>} : memref<25600xi32, #tpu.memory_space<vmem>>, vector<16xi32>,
    } {sc.loop_unroll_factor = 2 : i64, sc.parallel_access}
    %jit3A = arith.constant 8 : i32
    %div3A = vector.broadcast %jit3A : i32 to vector<16xi32>
    %div3A_6 = arith.divsi %iota3A, %div3A : vector<16xi32>
    %sign3A = arith.constant 0 : i32
    %sign3A_7 = vector.broadcast %sign3A : i32 to vector<16xi32>
    %sign3A_8 = arith.cmpi sgt, %iota3A, %sign3A_7 : vector<16xi32>
    %sign3A_9 = arith.extui %sign3A_8 : vector<16xi1> to vector<16xi32>
    %sign3A_10 = arith.constant 0 : i32
    %sign3A_11 = vector.broadcast %sign3A_10 : i32 to vector<16xi32>
    %sign3A_12 = arith.cmpi slt, %iota3A, %sign3A_11 : vector<16xi32>
    %sign3A_13 = arith.extui %sign3A_12 : vector<16xi1> to vector<16xi32>
    %sign3A_14 = arith.subi %sign3A_9, %sign3A_13 : vector<16xi32>
    %sign3A_15 = arith.constant 0 : i32
    %sign3A_16 = arith.cmpi sgt, %jit3A, %sign3A_15 : i32
    %sign3A_17 = arith.extui %sign3A_16 : i1 to i32
    %sign3A_18 = arith.constant 0 : i32
    %sign3A_19 = arith.cmpi slt, %jit3A, %sign3A_18 : i32
    %sign3A_20 = arith.extui %sign3A_19 : i1 to i32
    %sign3A_21 = arith.subi %sign3A_17, %sign3A_20 : i32
    %ne3A = vector.broadcast %sign3A_21 : i32 to vector<16xi32>
    %ne3A_22 = arith.cmpi ne, %sign3A_14, %ne3A : vector<16xi32>
    %rem3A = vector.broadcast %jit3A : i32 to vector<16xi32>
    %rem3A_23 = arith.remsi %iota3A, %rem3A : vector<16xi32>
    %ne3A_24 = arith.constant 0 : i32
    %ne3A_25 = vector.broadcast %ne3A_24 : i32 to vector<16xi32>
    %ne3A_26 = arith.cmpi ne, %rem3A_23, %ne3A_25 : vector<16xi32>
    %and3A = arith.andi %ne3A_22, %ne3A_26 : vector<16xi1>
    %sub3A = arith.constant 1 : i32
    %sub3A_27 = vector.broadcast %sub3A : i32 to vector<16xi32>
    %sub3A_28 = arith.subi %div3A_6, %sub3A_27 : vector<16xi32>
    %select_n3A = arith.select %and3A, %sub3A_28, %div3A_6 : vector<16xi1>, vector<16xi32>
    %jit3A_29 = arith.constant 8 : i32
    %eq3A = arith.constant 0 : i32
    %eq3A_30 = arith.cmpi eq, %jit3A_29, %eq3A : i32
    %jit3A_31 = arith.constant 1 : i32
    %select_n3A_32 = arith.select %eq3A_30, %jit3A_31, %jit3A_29 : i32
    %rem3A_33 = vector.broadcast %select_n3A_32 : i32 to vector<16xi32>
    %rem3A_34 = arith.remsi %iota3A, %rem3A_33 : vector<16xi32>
    %ne3A_35 = arith.constant 0 : i32
    %ne3A_36 = vector.broadcast %ne3A_35 : i32 to vector<16xi32>
    %ne3A_37 = arith.cmpi ne, %rem3A_34, %ne3A_36 : vector<16xi32>
    %lt3A = arith.constant 0 : i32
    %lt3A_38 = vector.broadcast %lt3A : i32 to vector<16xi32>
    %lt3A_39 = arith.cmpi slt, %rem3A_34, %lt3A_38 : vector<16xi32>
    %lt3A_40 = arith.constant 0 : i32
    %lt3A_41 = arith.cmpi slt, %select_n3A_32, %lt3A_40 : i32
    %ne3A_42 = vector.broadcast %lt3A_41 : i1 to vector<16xi1>
    %ne3A_43 = vector.broadcast %ne3A_42 : vector<16xi1> to vector<16xi1>
    %ne3A_44 = arith.xori %lt3A_39, %ne3A_43 : vector<16xi1>
    %and3A_45 = arith.andi %ne3A_44, %ne3A_37 : vector<16xi1>
    %add3A_46 = vector.broadcast %select_n3A_32 : i32 to vector<16xi32>
    %add3A_47 = arith.addi %rem3A_34, %add3A_46 : vector<16xi32>
    %select_n3A_48 = arith.select %and3A_45, %add3A_47, %rem3A_34 : vector<16xi1>, vector<16xi32>
    %dma_start3A = arith.constant 0 : i32
    %dma_start3A_49 = arith.constant 0 : i32
    %dma_start3A_50 = arith.constant 0 : i32
    %dma_start3A_51 = tpu.memref_slice %arg7[%dma_start3A, %dma_start3A_49, %dma_start3A_50] : memref<2x128x64xf32, #tpu.memory_space<vmem>> -> memref<1x128x64xf32, #tpu.memory_space<vmem>>
    %dma_start3A_52 = tpu.memref_squeeze %dma_start3A_51 : memref<1x128x64xf32, #tpu.memory_space<vmem>> -> memref<128x64xf32, #tpu.memory_space<vmem>>
    %dma_start3A_53 = arith.constant 0 : i32
    %dma_start3A_54 = tpu.memref_slice %arg6[%dma_start3A_53] : memref<25600xi32, #tpu.memory_space<vmem>> -> memref<128xi32, #tpu.memory_space<vmem>>
    %dma_start3A_55 = arith.constant 0 : i32
    %dma_start3A_56 = arith.constant 0 : i32
    %dma_start3A_57 = tpu.memref_slice %arg3[%dma_start3A_55, %dma_start3A_56] : memref<100000x64xf32, #tpu.memory_space<hbm>> -> memref<100000x64xf32, #tpu.memory_space<hbm>>
    tpu.enqueue_indirect_dma source(%dma_start3A_57 : memref<100000x64xf32, #tpu.memory_space<hbm>>) target(%dma_start3A_52 : memref<128x64xf32, #tpu.memory_space<vmem>>) offsets(%dma_start3A_54 : memref<128xi32, #tpu.memory_space<vmem>>) semaphore(%arg11 : memref<!tpu.dma_semaphore, #tpu.memory_space<semaphore_mem>>)
    %dma_start3A_58 = arith.constant 1 : i32
    %dma_start3A_59 = arith.constant 0 : i32
    %dma_start3A_60 = arith.constant 0 : i32
    %dma_start3A_61 = tpu.memref_slice %arg7[%dma_start3A_58, %dma_start3A_59, %dma_start3A_60] : memref<2x128x64xf32, #tpu.memory_space<vmem>> -> memref<1x128x64xf32, #tpu.memory_space<vmem>>
    %dma_start3A_62 = tpu.memref_squeeze %dma_start3A_61 : memref<1x128x64xf32, #tpu.memory_space<vmem>> -> memref<128x64xf32, #tpu.memory_space<vmem>>
    %dma_start3A_63 = arith.constant 128 : i32
    %dma_start3A_64 = tpu.memref_slice %arg6[%dma_start3A_63] : memref<25600xi32, #tpu.memory_space<vmem>> -> memref<128xi32, #tpu.memory_space<vmem>>
    %dma_start3A_65 = arith.constant 0 : i32
    %dma_start3A_66 = arith.constant 0 : i32
    %dma_start3A_67 = tpu.memref_slice %arg3[%dma_start3A_65, %dma_start3A_66] : memref<100000x64xf32, #tpu.memory_space<hbm>> -> memref<100000x64xf32, #tpu.memory_space<hbm>>
    tpu.enqueue_indirect_dma source(%dma_start3A_67 : memref<100000x64xf32, #tpu.memory_space<hbm>>) target(%dma_start3A_62 : memref<128x64xf32, #tpu.memory_space<vmem>>) offsets(%dma_start3A_64 : memref<128xi32, #tpu.memory_space<vmem>>) semaphore(%arg11 : memref<!tpu.dma_semaphore, #tpu.memory_space<semaphore_mem>>)
    %dma_start3A_68 = arith.constant 0 : i32
    %dma_start3A_69 = arith.constant 0 : i32
    %dma_start3A_70 = arith.constant 0 : i32
    %dma_start3A_71 = tpu.memref_slice %arg8[%dma_start3A_68, %dma_start3A_69, %dma_start3A_70] : memref<2x128x64xf32, #tpu.memory_space<vmem>> -> memref<1x128x64xf32, #tpu.memory_space<vmem>>
    %dma_start3A_72 = tpu.memref_squeeze %dma_start3A_71 : memref<1x128x64xf32, #tpu.memory_space<vmem>> -> memref<128x64xf32, #tpu.memory_space<vmem>>
    %dma_start3A_73 = arith.constant 256 : i32
    %dma_start3A_74 = tpu.memref_slice %arg6[%dma_start3A_73] : memref<25600xi32, #tpu.memory_space<vmem>> -> memref<128xi32, #tpu.memory_space<vmem>>
    %dma_start3A_75 = arith.constant 0 : i32
    %dma_start3A_76 = arith.constant 0 : i32
    %dma_start3A_77 = tpu.memref_slice %arg3[%dma_start3A_75, %dma_start3A_76] : memref<100000x64xf32, #tpu.memory_space<hbm>> -> memref<100000x64xf32, #tpu.memory_space<hbm>>
    tpu.enqueue_indirect_dma source(%dma_start3A_77 : memref<100000x64xf32, #tpu.memory_space<hbm>>) target(%dma_start3A_72 : memref<128x64xf32, #tpu.memory_space<vmem>>) offsets(%dma_start3A_74 : memref<128xi32, #tpu.memory_space<vmem>>) semaphore(%arg12 : memref<!tpu.dma_semaphore, #tpu.memory_space<semaphore_mem>>)
    %dma_start3A_78 = arith.constant 1 : i32
    %dma_start3A_79 = arith.constant 0 : i32
    %dma_start3A_80 = arith.constant 0 : i32
    %dma_start3A_81 = tpu.memref_slice %arg8[%dma_start3A_78, %dma_start3A_79, %dma_start3A_80] : memref<2x128x64xf32, #tpu.memory_space<vmem>> -> memref<1x128x64xf32, #tpu.memory_space<vmem>>
    %dma_start3A_82 = tpu.memref_squeeze %dma_start3A_81 : memref<1x128x64xf32, #tpu.memory_space<vmem>> -> memref<128x64xf32, #tpu.memory_space<vmem>>
    %dma_start3A_83 = arith.constant 384 : i32
    %dma_start3A_84 = tpu.memref_slice %arg6[%dma_start3A_83] : memref<25600xi32, #tpu.memory_space<vmem>> -> memref<128xi32, #tpu.memory_space<vmem>>
    %dma_start3A_85 = arith.constant 0 : i32
    %dma_start3A_86 = arith.constant 0 : i32
    %dma_start3A_87 = tpu.memref_slice %arg3[%dma_start3A_85, %dma_start3A_86] : memref<100000x64xf32, #tpu.memory_space<hbm>> -> memref<100000x64xf32, #tpu.memory_space<hbm>>
    tpu.enqueue_indirect_dma source(%dma_start3A_87 : memref<100000x64xf32, #tpu.memory_space<hbm>>) target(%dma_start3A_82 : memref<128x64xf32, #tpu.memory_space<vmem>>) offsets(%dma_start3A_84 : memref<128xi32, #tpu.memory_space<vmem>>) semaphore(%arg12 : memref<!tpu.dma_semaphore, #tpu.memory_space<semaphore_mem>>)
    %scan3A = arith.constant 0 : i32
    %scan3A_88 = arith.constant 0 : i32
    %scan3A_89 = arith.constant 50 : i32
    %scan3A_90 = arith.addi %scan3A_88, %scan3A_89 : i32
    %scan3A_91 = arith.constant 1 : i32
    scf.for %scan3A_136 = %scan3A_88 to %scan3A_90 step %scan3A_91  : i32 {
      %mul3A_137 = arith.constant 2 : i32
      %mul3A_138 = arith.muli %mul3A_137, %scan3A_136 : i32
      %add3A_139 = arith.constant 1 : i32
      %add3A_140 = arith.addi %mul3A_138, %add3A_139 : i32
      %gt3A = arith.constant 0 : i32
      %gt3A_141 = arith.cmpi sgt, %scan3A_136, %gt3A : i32
      %convert_element_type3A = arith.extui %gt3A_141 : i1 to i32
      %cond3A = arith.constant 0 : i32
      %cond3A_142 = arith.cmpi ne, %convert_element_type3A, %cond3A : i32
      scf.if %cond3A_142 {
        %sub3A_268 = arith.constant 2 : i32
        %sub3A_269 = arith.subi %mul3A_138, %sub3A_268 : i32
        %mul3A_270 = arith.constant 2 : i32
        %mul3A_271 = arith.muli %sub3A_269, %mul3A_270 : i32
        %dma_wait3A_272 = arith.constant 0 : i32
        %dma_wait3A_273 = arith.constant 0 : i32
        %dma_wait3A_274 = arith.constant 0 : i32
        %dma_wait3A_275 = arith.constant 0 : i32
        %dma_wait3A_276 = tpu.memref_slice %arg9[%dma_wait3A_272, %dma_wait3A_273, %dma_wait3A_274, %dma_wait3A_275] : memref<2x8x8x129xf32, #tpu.memory_space<vmem>> -> memref<2x8x8x128xf32, #tpu.memory_space<vmem>>
        %dma_wait3A_277 = arith.constant 0 : i32
        %dma_wait3A_278 = arith.constant 0 : i32
        %dma_wait3A_279 = arith.constant 0 : i32
        %dma_wait3A_280 = tpu.memref_slice %arg4[%mul3A_271, %dma_wait3A_277, %add3A, %dma_wait3A_278, %dma_wait3A_279] : memref<200x8x32x8x128xf32, #tpu.memory_space<hbm>> -> memref<2x8x1x8x128xf32, #tpu.memory_space<hbm>>
        %dma_wait3A_281 = tpu.memref_squeeze %dma_wait3A_280 : memref<2x8x1x8x128xf32, #tpu.memory_space<hbm>> -> memref<2x8x8x128xf32, #tpu.memory_space<hbm>>
        %dma_wait3A_282 = arith.constant 0 : i32
        %dma_wait3A_283 = arith.constant 0 : i32
        %dma_wait3A_284 = arith.constant 0 : i32
        %dma_wait3A_285 = tpu.memref_slice %arg4[%mul3A_271, %dma_wait3A_282, %add3A, %dma_wait3A_283, %dma_wait3A_284] : memref<200x8x32x8x128xf32, #tpu.memory_space<hbm>> -> memref<2x8x1x8x128xf32, #tpu.memory_space<hbm>>
        %dma_wait3A_286 = tpu.memref_squeeze %dma_wait3A_285 : memref<2x8x1x8x128xf32, #tpu.memory_space<hbm>> -> memref<2x8x8x128xf32, #tpu.memory_space<hbm>>
        %dma_wait3A_287 = arith.constant 0 : i32
        %dma_wait3A_288 = arith.constant 0 : i32
        %dma_wait3A_289 = arith.constant 0 : i32
        %dma_wait3A_290 = arith.constant 0 : i32
        %dma_wait3A_291 = tpu.memref_slice %arg9[%dma_wait3A_287, %dma_wait3A_288, %dma_wait3A_289, %dma_wait3A_290] : memref<2x8x8x129xf32, #tpu.memory_space<vmem>> -> memref<2x8x8x128xf32, #tpu.memory_space<vmem>>
        tpu.wait_dma2 semaphore(%arg13 : memref<!tpu.dma_semaphore, #tpu.memory_space<semaphore_mem>>) src(%dma_wait3A_291 : memref<2x8x8x128xf32, #tpu.memory_space<vmem>>) dst(%dma_wait3A_286 : memref<2x8x8x128xf32, #tpu.memory_space<hbm>>)
      } else {
      }
      %mul3A_143 = arith.constant 2 : i32
      %mul3A_144 = arith.muli %mul3A_138, %mul3A_143 : i32
      %add3A_145 = arith.constant 0 : i32
      %add3A_146 = arith.addi %mul3A_144, %add3A_145 : i32
      %mul3A_147 = arith.constant 128 : i32
      %mul3A_148 = arith.muli %add3A_146, %mul3A_147 : i32
      %dma_wait3A_149 = arith.constant 0 : i32
      %dma_wait3A_150 = arith.constant 0 : i32
      %dma_wait3A_151 = arith.constant 0 : i32
      %dma_wait3A_152 = tpu.memref_slice %arg7[%dma_wait3A_149, %dma_wait3A_150, %dma_wait3A_151] : memref<2x128x64xf32, #tpu.memory_space<vmem>> -> memref<1x128x64xf32, #tpu.memory_space<vmem>>
      %dma_wait3A_153 = tpu.memref_squeeze %dma_wait3A_152 : memref<1x128x64xf32, #tpu.memory_space<vmem>> -> memref<128x64xf32, #tpu.memory_space<vmem>>
      %dma_wait3A_154 = tpu.memref_slice %arg6[%mul3A_148] : memref<25600xi32, #tpu.memory_space<vmem>> -> memref<128xi32, #tpu.memory_space<vmem>>
      %dma_wait3A_155 = arith.constant 0 : i32
      %dma_wait3A_156 = arith.constant 0 : i32
      %dma_wait3A_157 = tpu.memref_slice %arg3[%dma_wait3A_155, %dma_wait3A_156] : memref<100000x64xf32, #tpu.memory_space<hbm>> -> memref<100000x64xf32, #tpu.memory_space<hbm>>
      tpu.wait_indirect_dma semaphore(%arg11 : memref<!tpu.dma_semaphore, #tpu.memory_space<semaphore_mem>>) src(%dma_wait3A_157 : memref<100000x64xf32, #tpu.memory_space<hbm>>) dst(%dma_wait3A_153 : memref<128x64xf32, #tpu.memory_space<vmem>>)
      %mul3A_158 = arith.constant 2 : i32
      %mul3A_159 = arith.muli %mul3A_138, %mul3A_158 : i32
      %add3A_160 = arith.constant 1 : i32
      %add3A_161 = arith.addi %mul3A_159, %add3A_160 : i32
      %mul3A_162 = arith.constant 128 : i32
      %mul3A_163 = arith.muli %add3A_161, %mul3A_162 : i32
      %dma_wait3A_164 = arith.constant 1 : i32
      %dma_wait3A_165 = arith.constant 0 : i32
      %dma_wait3A_166 = arith.constant 0 : i32
      %dma_wait3A_167 = tpu.memref_slice %arg7[%dma_wait3A_164, %dma_wait3A_165, %dma_wait3A_166] : memref<2x128x64xf32, #tpu.memory_space<vmem>> -> memref<1x128x64xf32, #tpu.memory_space<vmem>>
      %dma_wait3A_168 = tpu.memref_squeeze %dma_wait3A_167 : memref<1x128x64xf32, #tpu.memory_space<vmem>> -> memref<128x64xf32, #tpu.memory_space<vmem>>
      %dma_wait3A_169 = tpu.memref_slice %arg6[%mul3A_163] : memref<25600xi32, #tpu.memory_space<vmem>> -> memref<128xi32, #tpu.memory_space<vmem>>
      %dma_wait3A_170 = arith.constant 0 : i32
      %dma_wait3A_171 = arith.constant 0 : i32
      %dma_wait3A_172 = tpu.memref_slice %arg3[%dma_wait3A_170, %dma_wait3A_171] : memref<100000x64xf32, #tpu.memory_space<hbm>> -> memref<100000x64xf32, #tpu.memory_space<hbm>>
      tpu.wait_indirect_dma semaphore(%arg11 : memref<!tpu.dma_semaphore, #tpu.memory_space<semaphore_mem>>) src(%dma_wait3A_172 : memref<100000x64xf32, #tpu.memory_space<hbm>>) dst(%dma_wait3A_168 : memref<128x64xf32, #tpu.memory_space<vmem>>)
      %parallel_loop3A_173 = arith.constant 0 : i32
      %parallel_loop3A_174 = arith.constant 128 : i32
      %parallel_loop3A_175 = arith.constant 1 : i32
      scf.for %parallel_loop3A_268 = %parallel_loop3A_173 to %parallel_loop3A_174 step %parallel_loop3A_175  : i32 {
        %parallel_loop3A_269 = vector.broadcast %parallel_loop3A_268 : i32 to vector<16xi32>
        %parallel_loop3A_270 = arith.addi %broadcast_in_dim3A_3, %parallel_loop3A_269 : vector<16xi32>
        %parallel_loop3A_271 = arith.constant 0 : i32
        %parallel_loop3A_272 = arith.index_cast %parallel_loop3A_271 : i32 to index
        %parallel_loop3A_273 = arith.index_cast %parallel_loop3A_268 : i32 to index
        %parallel_loop3A_274 = arith.constant 0 : index
        %parallel_loop3A_275 = tpu.vector_load %arg7[%parallel_loop3A_272, %parallel_loop3A_273, %parallel_loop3A_274] {strides = array<i32>} : memref<2x128x64xf32, #tpu.memory_space<vmem>>, vector<16xf32>,
        %parallel_loop3A_276 = arith.constant 0 : i32
        %parallel_loop3A_277 = arith.index_cast %parallel_loop3A_276 : i32 to index
        %parallel_loop3A_278 = arith.index_cast %parallel_loop3A_268 : i32 to index
        %parallel_loop3A_279 = arith.constant 16 : index
        %parallel_loop3A_280 = tpu.vector_load %arg7[%parallel_loop3A_277, %parallel_loop3A_278, %parallel_loop3A_279] {strides = array<i32>} : memref<2x128x64xf32, #tpu.memory_space<vmem>>, vector<16xf32>,
        %parallel_loop3A_281 = arith.constant 0 : i32
        %parallel_loop3A_282 = arith.index_cast %parallel_loop3A_281 : i32 to index
        %parallel_loop3A_283 = arith.index_cast %parallel_loop3A_268 : i32 to index
        %parallel_loop3A_284 = arith.constant 32 : index
        %parallel_loop3A_285 = tpu.vector_load %arg7[%parallel_loop3A_282, %parallel_loop3A_283, %parallel_loop3A_284] {strides = array<i32>} : memref<2x128x64xf32, #tpu.memory_space<vmem>>, vector<16xf32>,
        %parallel_loop3A_286 = arith.constant 0 : i32
        %parallel_loop3A_287 = arith.index_cast %parallel_loop3A_286 : i32 to index
        %parallel_loop3A_288 = arith.index_cast %parallel_loop3A_268 : i32 to index
        %parallel_loop3A_289 = arith.constant 48 : index
        %parallel_loop3A_290 = tpu.vector_load %arg7[%parallel_loop3A_287, %parallel_loop3A_288, %parallel_loop3A_289] {strides = array<i32>} : memref<2x128x64xf32, #tpu.memory_space<vmem>>, vector<16xf32>,
        %parallel_loop3A_291 = arith.constant 1 : i32
        %parallel_loop3A_292 = arith.index_cast %parallel_loop3A_291 : i32 to index
        %parallel_loop3A_293 = arith.index_cast %parallel_loop3A_268 : i32 to index
        %parallel_loop3A_294 = arith.constant 0 : index
        %parallel_loop3A_295 = tpu.vector_load %arg7[%parallel_loop3A_292, %parallel_loop3A_293, %parallel_loop3A_294] {strides = array<i32>} : memref<2x128x64xf32, #tpu.memory_space<vmem>>, vector<16xf32>,
        %parallel_loop3A_296 = arith.constant 1 : i32
        %parallel_loop3A_297 = arith.index_cast %parallel_loop3A_296 : i32 to index
        %parallel_loop3A_298 = arith.index_cast %parallel_loop3A_268 : i32 to index
        %parallel_loop3A_299 = arith.constant 16 : index
        %parallel_loop3A_300 = tpu.vector_load %arg7[%parallel_loop3A_297, %parallel_loop3A_298, %parallel_loop3A_299] {strides = array<i32>} : memref<2x128x64xf32, #tpu.memory_space<vmem>>, vector<16xf32>,
        %parallel_loop3A_301 = arith.constant 1 : i32
        %parallel_loop3A_302 = arith.index_cast %parallel_loop3A_301 : i32 to index
        %parallel_loop3A_303 = arith.index_cast %parallel_loop3A_268 : i32 to index
        %parallel_loop3A_304 = arith.constant 32 : index
        %parallel_loop3A_305 = tpu.vector_load %arg7[%parallel_loop3A_302, %parallel_loop3A_303, %parallel_loop3A_304] {strides = array<i32>} : memref<2x128x64xf32, #tpu.memory_space<vmem>>, vector<16xf32>,
        %parallel_loop3A_306 = arith.constant 1 : i32
        %parallel_loop3A_307 = arith.index_cast %parallel_loop3A_306 : i32 to index
        %parallel_loop3A_308 = arith.index_cast %parallel_loop3A_268 : i32 to index
        %parallel_loop3A_309 = arith.constant 48 : index
        %parallel_loop3A_310 = tpu.vector_load %arg7[%parallel_loop3A_307, %parallel_loop3A_308, %parallel_loop3A_309] {strides = array<i32>} : memref<2x128x64xf32, #tpu.memory_space<vmem>>, vector<16xf32>,
        %parallel_loop3A_311 = arith.constant 0 : i32
        %parallel_loop3A_312 = vector.broadcast %parallel_loop3A_311 : i32 to vector<16xi32>
        %parallel_loop3A_313 = arith.addi %broadcast_in_dim3A_3, %parallel_loop3A_312 : vector<16xi32>
        %parallel_loop3A_314 = arith.constant 0 : i32
        %parallel_loop3A_315 = vector.broadcast %parallel_loop3A_314 : i32 to vector<16xi32>
        %parallel_loop3A_316 = arith.addi %select_n3A, %parallel_loop3A_315 : vector<16xi32>
        tpu.vector_store_idx %arg9[%parallel_loop3A_313, %parallel_loop3A_316, %select_n3A_48, %parallel_loop3A_270], %parallel_loop3A_275 : memref<2x8x8x129xf32, #tpu.memory_space<vmem>>[vector<16xi32>, vector<16xi32>, vector<16xi32>, vector<16xi32>], vector<16xf32>,
        %parallel_loop3A_317 = arith.constant 0 : i32
        %parallel_loop3A_318 = vector.broadcast %parallel_loop3A_317 : i32 to vector<16xi32>
        %parallel_loop3A_319 = arith.addi %broadcast_in_dim3A_3, %parallel_loop3A_318 : vector<16xi32>
        %parallel_loop3A_320 = arith.constant 2 : i32
        %parallel_loop3A_321 = vector.broadcast %parallel_loop3A_320 : i32 to vector<16xi32>
        %parallel_loop3A_322 = arith.addi %select_n3A, %parallel_loop3A_321 : vector<16xi32>
        tpu.vector_store_idx %arg9[%parallel_loop3A_319, %parallel_loop3A_322, %select_n3A_48, %parallel_loop3A_270], %parallel_loop3A_280 : memref<2x8x8x129xf32, #tpu.memory_space<vmem>>[vector<16xi32>, vector<16xi32>, vector<16xi32>, vector<16xi32>], vector<16xf32>,
        %parallel_loop3A_323 = arith.constant 0 : i32
        %parallel_loop3A_324 = vector.broadcast %parallel_loop3A_323 : i32 to vector<16xi32>
        %parallel_loop3A_325 = arith.addi %broadcast_in_dim3A_3, %parallel_loop3A_324 : vector<16xi32>
        %parallel_loop3A_326 = arith.constant 4 : i32
        %parallel_loop3A_327 = vector.broadcast %parallel_loop3A_326 : i32 to vector<16xi32>
        %parallel_loop3A_328 = arith.addi %select_n3A, %parallel_loop3A_327 : vector<16xi32>
        tpu.vector_store_idx %arg9[%parallel_loop3A_325, %parallel_loop3A_328, %select_n3A_48, %parallel_loop3A_270], %parallel_loop3A_285 : memref<2x8x8x129xf32, #tpu.memory_space<vmem>>[vector<16xi32>, vector<16xi32>, vector<16xi32>, vector<16xi32>], vector<16xf32>,
        %parallel_loop3A_329 = arith.constant 0 : i32
        %parallel_loop3A_330 = vector.broadcast %parallel_loop3A_329 : i32 to vector<16xi32>
        %parallel_loop3A_331 = arith.addi %broadcast_in_dim3A_3, %parallel_loop3A_330 : vector<16xi32>
        %parallel_loop3A_332 = arith.constant 6 : i32
        %parallel_loop3A_333 = vector.broadcast %parallel_loop3A_332 : i32 to vector<16xi32>
        %parallel_loop3A_334 = arith.addi %select_n3A, %parallel_loop3A_333 : vector<16xi32>
        tpu.vector_store_idx %arg9[%parallel_loop3A_331, %parallel_loop3A_334, %select_n3A_48, %parallel_loop3A_270], %parallel_loop3A_290 : memref<2x8x8x129xf32, #tpu.memory_space<vmem>>[vector<16xi32>, vector<16xi32>, vector<16xi32>, vector<16xi32>], vector<16xf32>,
        %parallel_loop3A_335 = arith.constant 1 : i32
        %parallel_loop3A_336 = vector.broadcast %parallel_loop3A_335 : i32 to vector<16xi32>
        %parallel_loop3A_337 = arith.addi %broadcast_in_dim3A_3, %parallel_loop3A_336 : vector<16xi32>
        %parallel_loop3A_338 = arith.constant 0 : i32
        %parallel_loop3A_339 = vector.broadcast %parallel_loop3A_338 : i32 to vector<16xi32>
        %parallel_loop3A_340 = arith.addi %select_n3A, %parallel_loop3A_339 : vector<16xi32>
        tpu.vector_store_idx %arg9[%parallel_loop3A_337, %parallel_loop3A_340, %select_n3A_48, %parallel_loop3A_270], %parallel_loop3A_295 : memref<2x8x8x129xf32, #tpu.memory_space<vmem>>[vector<16xi32>, vector<16xi32>, vector<16xi32>, vector<16xi32>], vector<16xf32>,
        %parallel_loop3A_341 = arith.constant 1 : i32
        %parallel_loop3A_342 = vector.broadcast %parallel_loop3A_341 : i32 to vector<16xi32>
        %parallel_loop3A_343 = arith.addi %broadcast_in_dim3A_3, %parallel_loop3A_342 : vector<16xi32>
        %parallel_loop3A_344 = arith.constant 2 : i32
        %parallel_loop3A_345 = vector.broadcast %parallel_loop3A_344 : i32 to vector<16xi32>
        %parallel_loop3A_346 = arith.addi %select_n3A, %parallel_loop3A_345 : vector<16xi32>
        tpu.vector_store_idx %arg9[%parallel_loop3A_343, %parallel_loop3A_346, %select_n3A_48, %parallel_loop3A_270], %parallel_loop3A_300 : memref<2x8x8x129xf32, #tpu.memory_space<vmem>>[vector<16xi32>, vector<16xi32>, vector<16xi32>, vector<16xi32>], vector<16xf32>,
        %parallel_loop3A_347 = arith.constant 1 : i32
        %parallel_loop3A_348 = vector.broadcast %parallel_loop3A_347 : i32 to vector<16xi32>
        %parallel_loop3A_349 = arith.addi %broadcast_in_dim3A_3, %parallel_loop3A_348 : vector<16xi32>
        %parallel_loop3A_350 = arith.constant 4 : i32
        %parallel_loop3A_351 = vector.broadcast %parallel_loop3A_350 : i32 to vector<16xi32>
        %parallel_loop3A_352 = arith.addi %select_n3A, %parallel_loop3A_351 : vector<16xi32>
        tpu.vector_store_idx %arg9[%parallel_loop3A_349, %parallel_loop3A_352, %select_n3A_48, %parallel_loop3A_270], %parallel_loop3A_305 : memref<2x8x8x129xf32, #tpu.memory_space<vmem>>[vector<16xi32>, vector<16xi32>, vector<16xi32>, vector<16xi32>], vector<16xf32>,
        %parallel_loop3A_353 = arith.constant 1 : i32
        %parallel_loop3A_354 = vector.broadcast %parallel_loop3A_353 : i32 to vector<16xi32>
        %parallel_loop3A_355 = arith.addi %broadcast_in_dim3A_3, %parallel_loop3A_354 : vector<16xi32>
        %parallel_loop3A_356 = arith.constant 6 : i32
        %parallel_loop3A_357 = vector.broadcast %parallel_loop3A_356 : i32 to vector<16xi32>
        %parallel_loop3A_358 = arith.addi %select_n3A, %parallel_loop3A_357 : vector<16xi32>
        tpu.vector_store_idx %arg9[%parallel_loop3A_355, %parallel_loop3A_358, %select_n3A_48, %parallel_loop3A_270], %parallel_loop3A_310 : memref<2x8x8x129xf32, #tpu.memory_space<vmem>>[vector<16xi32>, vector<16xi32>, vector<16xi32>, vector<16xi32>], vector<16xf32>,
      } {sc.loop_unroll_factor = 4 : i64, sc.parallel_access}
      %lt3A_176 = arith.constant 49 : i32
      %lt3A_177 = arith.cmpi slt, %scan3A_136, %lt3A_176 : i32
      %convert_element_type3A_178 = arith.extui %lt3A_177 : i1 to i32
      %cond3A_179 = arith.constant 0 : i32
      %cond3A_180 = arith.cmpi ne, %convert_element_type3A_178, %cond3A_179 : i32
      scf.if %cond3A_180 {
        %add3A_268 = arith.constant 2 : i32
        %add3A_269 = arith.addi %mul3A_138, %add3A_268 : i32
        %mul3A_270 = arith.constant 2 : i32
        %mul3A_271 = arith.muli %add3A_269, %mul3A_270 : i32
        %add3A_272 = arith.constant 0 : i32
        %add3A_273 = arith.addi %mul3A_271, %add3A_272 : i32
        %mul3A_274 = arith.constant 128 : i32
        %mul3A_275 = arith.muli %add3A_273, %mul3A_274 : i32
        %dma_start3A_276 = arith.constant 0 : i32
        %dma_start3A_277 = arith.constant 0 : i32
        %dma_start3A_278 = arith.constant 0 : i32
        %dma_start3A_279 = tpu.memref_slice %arg7[%dma_start3A_276, %dma_start3A_277, %dma_start3A_278] : memref<2x128x64xf32, #tpu.memory_space<vmem>> -> memref<1x128x64xf32, #tpu.memory_space<vmem>>
        %dma_start3A_280 = tpu.memref_squeeze %dma_start3A_279 : memref<1x128x64xf32, #tpu.memory_space<vmem>> -> memref<128x64xf32, #tpu.memory_space<vmem>>
        %dma_start3A_281 = tpu.memref_slice %arg6[%mul3A_275] : memref<25600xi32, #tpu.memory_space<vmem>> -> memref<128xi32, #tpu.memory_space<vmem>>
        %dma_start3A_282 = arith.constant 0 : i32
        %dma_start3A_283 = arith.constant 0 : i32
        %dma_start3A_284 = tpu.memref_slice %arg3[%dma_start3A_282, %dma_start3A_283] : memref<100000x64xf32, #tpu.memory_space<hbm>> -> memref<100000x64xf32, #tpu.memory_space<hbm>>
        tpu.enqueue_indirect_dma source(%dma_start3A_284 : memref<100000x64xf32, #tpu.memory_space<hbm>>) target(%dma_start3A_280 : memref<128x64xf32, #tpu.memory_space<vmem>>) offsets(%dma_start3A_281 : memref<128xi32, #tpu.memory_space<vmem>>) semaphore(%arg11 : memref<!tpu.dma_semaphore, #tpu.memory_space<semaphore_mem>>)
        %mul3A_285 = arith.constant 2 : i32
        %mul3A_286 = arith.muli %add3A_269, %mul3A_285 : i32
        %add3A_287 = arith.constant 1 : i32
        %add3A_288 = arith.addi %mul3A_286, %add3A_287 : i32
        %mul3A_289 = arith.constant 128 : i32
        %mul3A_290 = arith.muli %add3A_288, %mul3A_289 : i32
        %dma_start3A_291 = arith.constant 1 : i32
        %dma_start3A_292 = arith.constant 0 : i32
        %dma_start3A_293 = arith.constant 0 : i32
        %dma_start3A_294 = tpu.memref_slice %arg7[%dma_start3A_291, %dma_start3A_292, %dma_start3A_293] : memref<2x128x64xf32, #tpu.memory_space<vmem>> -> memref<1x128x64xf32, #tpu.memory_space<vmem>>
        %dma_start3A_295 = tpu.memref_squeeze %dma_start3A_294 : memref<1x128x64xf32, #tpu.memory_space<vmem>> -> memref<128x64xf32, #tpu.memory_space<vmem>>
        %dma_start3A_296 = tpu.memref_slice %arg6[%mul3A_290] : memref<25600xi32, #tpu.memory_space<vmem>> -> memref<128xi32, #tpu.memory_space<vmem>>
        %dma_start3A_297 = arith.constant 0 : i32
        %dma_start3A_298 = arith.constant 0 : i32
        %dma_start3A_299 = tpu.memref_slice %arg3[%dma_start3A_297, %dma_start3A_298] : memref<100000x64xf32, #tpu.memory_space<hbm>> -> memref<100000x64xf32, #tpu.memory_space<hbm>>
        tpu.enqueue_indirect_dma source(%dma_start3A_299 : memref<100000x64xf32, #tpu.memory_space<hbm>>) target(%dma_start3A_295 : memref<128x64xf32, #tpu.memory_space<vmem>>) offsets(%dma_start3A_296 : memref<128xi32, #tpu.memory_space<vmem>>) semaphore(%arg11 : memref<!tpu.dma_semaphore, #tpu.memory_space<semaphore_mem>>)
      } else {
      }
      %mul3A_181 = arith.constant 2 : i32
      %mul3A_182 = arith.muli %mul3A_138, %mul3A_181 : i32
      %dma_start3A_183 = arith.constant 0 : i32
      %dma_start3A_184 = arith.constant 0 : i32
      %dma_start3A_185 = arith.constant 0 : i32
      %dma_start3A_186 = arith.constant 0 : i32
      %dma_start3A_187 = tpu.memref_slice %arg9[%dma_start3A_183, %dma_start3A_184, %dma_start3A_185, %dma_start3A_186] : memref<2x8x8x129xf32, #tpu.memory_space<vmem>> -> memref<2x8x8x128xf32, #tpu.memory_space<vmem>>
      %dma_start3A_188 = arith.constant 0 : i32
      %dma_start3A_189 = arith.constant 0 : i32
      %dma_start3A_190 = arith.constant 0 : i32
      %dma_start3A_191 = tpu.memref_slice %arg4[%mul3A_182, %dma_start3A_188, %add3A, %dma_start3A_189, %dma_start3A_190] : memref<200x8x32x8x128xf32, #tpu.memory_space<hbm>> -> memref<2x8x1x8x128xf32, #tpu.memory_space<hbm>>
      %dma_start3A_192 = tpu.memref_squeeze %dma_start3A_191 : memref<2x8x1x8x128xf32, #tpu.memory_space<hbm>> -> memref<2x8x8x128xf32, #tpu.memory_space<hbm>>
      %dma_start3A_193 = arith.constant 0 : i32
      %dma_start3A_194 = arith.constant 0 : i32
      %dma_start3A_195 = arith.constant 0 : i32
      %dma_start3A_196 = tpu.memref_slice %arg4[%mul3A_182, %dma_start3A_193, %add3A, %dma_start3A_194, %dma_start3A_195] : memref<200x8x32x8x128xf32, #tpu.memory_space<hbm>> -> memref<2x8x1x8x128xf32, #tpu.memory_space<hbm>>
      %dma_start3A_197 = tpu.memref_squeeze %dma_start3A_196 : memref<2x8x1x8x128xf32, #tpu.memory_space<hbm>> -> memref<2x8x8x128xf32, #tpu.memory_space<hbm>>
      %dma_start3A_198 = arith.constant 0 : i32
      %dma_start3A_199 = arith.constant 0 : i32
      %dma_start3A_200 = arith.constant 0 : i32
      %dma_start3A_201 = arith.constant 0 : i32
      %dma_start3A_202 = tpu.memref_slice %arg9[%dma_start3A_198, %dma_start3A_199, %dma_start3A_200, %dma_start3A_201] : memref<2x8x8x129xf32, #tpu.memory_space<vmem>> -> memref<2x8x8x128xf32, #tpu.memory_space<vmem>>
      tpu.enqueue_dma source(%dma_start3A_202 : memref<2x8x8x128xf32, #tpu.memory_space<vmem>>) target(%dma_start3A_197 : memref<2x8x8x128xf32, #tpu.memory_space<hbm>>) target_semaphore(%arg13 : memref<!tpu.dma_semaphore, #tpu.memory_space<semaphore_mem>>)
      %gt3A_203 = arith.constant 0 : i32
      %gt3A_204 = arith.cmpi sgt, %scan3A_136, %gt3A_203 : i32
      %convert_element_type3A_205 = arith.extui %gt3A_204 : i1 to i32
      %cond3A_206 = arith.constant 0 : i32
      %cond3A_207 = arith.cmpi ne, %convert_element_type3A_205, %cond3A_206 : i32
      scf.if %cond3A_207 {
        %sub3A_268 = arith.constant 2 : i32
        %sub3A_269 = arith.subi %add3A_140, %sub3A_268 : i32
        %mul3A_270 = arith.constant 2 : i32
        %mul3A_271 = arith.muli %sub3A_269, %mul3A_270 : i32
        %dma_wait3A_272 = arith.constant 0 : i32
        %dma_wait3A_273 = arith.constant 0 : i32
        %dma_wait3A_274 = arith.constant 0 : i32
        %dma_wait3A_275 = arith.constant 0 : i32
        %dma_wait3A_276 = tpu.memref_slice %arg10[%dma_wait3A_272, %dma_wait3A_273, %dma_wait3A_274, %dma_wait3A_275] : memref<2x8x8x129xf32, #tpu.memory_space<vmem>> -> memref<2x8x8x128xf32, #tpu.memory_space<vmem>>
        %dma_wait3A_277 = arith.constant 0 : i32
        %dma_wait3A_278 = arith.constant 0 : i32
        %dma_wait3A_279 = arith.constant 0 : i32
        %dma_wait3A_280 = tpu.memref_slice %arg4[%mul3A_271, %dma_wait3A_277, %add3A, %dma_wait3A_278, %dma_wait3A_279] : memref<200x8x32x8x128xf32, #tpu.memory_space<hbm>> -> memref<2x8x1x8x128xf32, #tpu.memory_space<hbm>>
        %dma_wait3A_281 = tpu.memref_squeeze %dma_wait3A_280 : memref<2x8x1x8x128xf32, #tpu.memory_space<hbm>> -> memref<2x8x8x128xf32, #tpu.memory_space<hbm>>
        %dma_wait3A_282 = arith.constant 0 : i32
        %dma_wait3A_283 = arith.constant 0 : i32
        %dma_wait3A_284 = arith.constant 0 : i32
        %dma_wait3A_285 = tpu.memref_slice %arg4[%mul3A_271, %dma_wait3A_282, %add3A, %dma_wait3A_283, %dma_wait3A_284] : memref<200x8x32x8x128xf32, #tpu.memory_space<hbm>> -> memref<2x8x1x8x128xf32, #tpu.memory_space<hbm>>
        %dma_wait3A_286 = tpu.memref_squeeze %dma_wait3A_285 : memref<2x8x1x8x128xf32, #tpu.memory_space<hbm>> -> memref<2x8x8x128xf32, #tpu.memory_space<hbm>>
        %dma_wait3A_287 = arith.constant 0 : i32
        %dma_wait3A_288 = arith.constant 0 : i32
        %dma_wait3A_289 = arith.constant 0 : i32
        %dma_wait3A_290 = arith.constant 0 : i32
        %dma_wait3A_291 = tpu.memref_slice %arg10[%dma_wait3A_287, %dma_wait3A_288, %dma_wait3A_289, %dma_wait3A_290] : memref<2x8x8x129xf32, #tpu.memory_space<vmem>> -> memref<2x8x8x128xf32, #tpu.memory_space<vmem>>
        tpu.wait_dma2 semaphore(%arg14 : memref<!tpu.dma_semaphore, #tpu.memory_space<semaphore_mem>>) src(%dma_wait3A_291 : memref<2x8x8x128xf32, #tpu.memory_space<vmem>>) dst(%dma_wait3A_286 : memref<2x8x8x128xf32, #tpu.memory_space<hbm>>)
      } else {
      }
      %mul3A_208 = arith.constant 2 : i32
      %mul3A_209 = arith.muli %add3A_140, %mul3A_208 : i32
      %add3A_210 = arith.constant 0 : i32
      %add3A_211 = arith.addi %mul3A_209, %add3A_210 : i32
      %mul3A_212 = arith.constant 128 : i32
      %mul3A_213 = arith.muli %add3A_211, %mul3A_212 : i32
      %dma_wait3A_214 = arith.constant 0 : i32
      %dma_wait3A_215 = arith.constant 0 : i32
      %dma_wait3A_216 = arith.constant 0 : i32
      %dma_wait3A_217 = tpu.memref_slice %arg8[%dma_wait3A_214, %dma_wait3A_215, %dma_wait3A_216] : memref<2x128x64xf32, #tpu.memory_space<vmem>> -> memref<1x128x64xf32, #tpu.memory_space<vmem>>
      %dma_wait3A_218 = tpu.memref_squeeze %dma_wait3A_217 : memref<1x128x64xf32, #tpu.memory_space<vmem>> -> memref<128x64xf32, #tpu.memory_space<vmem>>
      %dma_wait3A_219 = tpu.memref_slice %arg6[%mul3A_213] : memref<25600xi32, #tpu.memory_space<vmem>> -> memref<128xi32, #tpu.memory_space<vmem>>
      %dma_wait3A_220 = arith.constant 0 : i32
      %dma_wait3A_221 = arith.constant 0 : i32
      %dma_wait3A_222 = tpu.memref_slice %arg3[%dma_wait3A_220, %dma_wait3A_221] : memref<100000x64xf32, #tpu.memory_space<hbm>> -> memref<100000x64xf32, #tpu.memory_space<hbm>>
      tpu.wait_indirect_dma semaphore(%arg12 : memref<!tpu.dma_semaphore, #tpu.memory_space<semaphore_mem>>) src(%dma_wait3A_222 : memref<100000x64xf32, #tpu.memory_space<hbm>>) dst(%dma_wait3A_218 : memref<128x64xf32, #tpu.memory_space<vmem>>)
      %mul3A_223 = arith.constant 2 : i32
      %mul3A_224 = arith.muli %add3A_140, %mul3A_223 : i32
      %add3A_225 = arith.constant 1 : i32
      %add3A_226 = arith.addi %mul3A_224, %add3A_225 : i32
      %mul3A_227 = arith.constant 128 : i32
      %mul3A_228 = arith.muli %add3A_226, %mul3A_227 : i32
      %dma_wait3A_229 = arith.constant 1 : i32
      %dma_wait3A_230 = arith.constant 0 : i32
      %dma_wait3A_231 = arith.constant 0 : i32
      %dma_wait3A_232 = tpu.memref_slice %arg8[%dma_wait3A_229, %dma_wait3A_230, %dma_wait3A_231] : memref<2x128x64xf32, #tpu.memory_space<vmem>> -> memref<1x128x64xf32, #tpu.memory_space<vmem>>
      %dma_wait3A_233 = tpu.memref_squeeze %dma_wait3A_232 : memref<1x128x64xf32, #tpu.memory_space<vmem>> -> memref<128x64xf32, #tpu.memory_space<vmem>>
      %dma_wait3A_234 = tpu.memref_slice %arg6[%mul3A_228] : memref<25600xi32, #tpu.memory_space<vmem>> -> memref<128xi32, #tpu.memory_space<vmem>>
      %dma_wait3A_235 = arith.constant 0 : i32
      %dma_wait3A_236 = arith.constant 0 : i32
      %dma_wait3A_237 = tpu.memref_slice %arg3[%dma_wait3A_235, %dma_wait3A_236] : memref<100000x64xf32, #tpu.memory_space<hbm>> -> memref<100000x64xf32, #tpu.memory_space<hbm>>
      tpu.wait_indirect_dma semaphore(%arg12 : memref<!tpu.dma_semaphore, #tpu.memory_space<semaphore_mem>>) src(%dma_wait3A_237 : memref<100000x64xf32, #tpu.memory_space<hbm>>) dst(%dma_wait3A_233 : memref<128x64xf32, #tpu.memory_space<vmem>>)
      %parallel_loop3A_238 = arith.constant 0 : i32
      %parallel_loop3A_239 = arith.constant 128 : i32
      %parallel_loop3A_240 = arith.constant 1 : i32
      scf.for %parallel_loop3A_268 = %parallel_loop3A_238 to %parallel_loop3A_239 step %parallel_loop3A_240  : i32 {
        %parallel_loop3A_269 = vector.broadcast %parallel_loop3A_268 : i32 to vector<16xi32>
        %parallel_loop3A_270 = arith.addi %broadcast_in_dim3A_3, %parallel_loop3A_269 : vector<16xi32>
        %parallel_loop3A_271 = arith.constant 0 : i32
        %parallel_loop3A_272 = arith.index_cast %parallel_loop3A_271 : i32 to index
        %parallel_loop3A_273 = arith.index_cast %parallel_loop3A_268 : i32 to index
        %parallel_loop3A_274 = arith.constant 0 : index
        %parallel_loop3A_275 = tpu.vector_load %arg8[%parallel_loop3A_272, %parallel_loop3A_273, %parallel_loop3A_274] {strides = array<i32>} : memref<2x128x64xf32, #tpu.memory_space<vmem>>, vector<16xf32>,
        %parallel_loop3A_276 = arith.constant 0 : i32
        %parallel_loop3A_277 = arith.index_cast %parallel_loop3A_276 : i32 to index
        %parallel_loop3A_278 = arith.index_cast %parallel_loop3A_268 : i32 to index
        %parallel_loop3A_279 = arith.constant 16 : index
        %parallel_loop3A_280 = tpu.vector_load %arg8[%parallel_loop3A_277, %parallel_loop3A_278, %parallel_loop3A_279] {strides = array<i32>} : memref<2x128x64xf32, #tpu.memory_space<vmem>>, vector<16xf32>,
        %parallel_loop3A_281 = arith.constant 0 : i32
        %parallel_loop3A_282 = arith.index_cast %parallel_loop3A_281 : i32 to index
        %parallel_loop3A_283 = arith.index_cast %parallel_loop3A_268 : i32 to index
        %parallel_loop3A_284 = arith.constant 32 : index
        %parallel_loop3A_285 = tpu.vector_load %arg8[%parallel_loop3A_282, %parallel_loop3A_283, %parallel_loop3A_284] {strides = array<i32>} : memref<2x128x64xf32, #tpu.memory_space<vmem>>, vector<16xf32>,
        %parallel_loop3A_286 = arith.constant 0 : i32
        %parallel_loop3A_287 = arith.index_cast %parallel_loop3A_286 : i32 to index
        %parallel_loop3A_288 = arith.index_cast %parallel_loop3A_268 : i32 to index
        %parallel_loop3A_289 = arith.constant 48 : index
        %parallel_loop3A_290 = tpu.vector_load %arg8[%parallel_loop3A_287, %parallel_loop3A_288, %parallel_loop3A_289] {strides = array<i32>} : memref<2x128x64xf32, #tpu.memory_space<vmem>>, vector<16xf32>,
        %parallel_loop3A_291 = arith.constant 1 : i32
        %parallel_loop3A_292 = arith.index_cast %parallel_loop3A_291 : i32 to index
        %parallel_loop3A_293 = arith.index_cast %parallel_loop3A_268 : i32 to index
        %parallel_loop3A_294 = arith.constant 0 : index
        %parallel_loop3A_295 = tpu.vector_load %arg8[%parallel_loop3A_292, %parallel_loop3A_293, %parallel_loop3A_294] {strides = array<i32>} : memref<2x128x64xf32, #tpu.memory_space<vmem>>, vector<16xf32>,
        %parallel_loop3A_296 = arith.constant 1 : i32
        %parallel_loop3A_297 = arith.index_cast %parallel_loop3A_296 : i32 to index
        %parallel_loop3A_298 = arith.index_cast %parallel_loop3A_268 : i32 to index
        %parallel_loop3A_299 = arith.constant 16 : index
        %parallel_loop3A_300 = tpu.vector_load %arg8[%parallel_loop3A_297, %parallel_loop3A_298, %parallel_loop3A_299] {strides = array<i32>} : memref<2x128x64xf32, #tpu.memory_space<vmem>>, vector<16xf32>,
        %parallel_loop3A_301 = arith.constant 1 : i32
        %parallel_loop3A_302 = arith.index_cast %parallel_loop3A_301 : i32 to index
        %parallel_loop3A_303 = arith.index_cast %parallel_loop3A_268 : i32 to index
        %parallel_loop3A_304 = arith.constant 32 : index
        %parallel_loop3A_305 = tpu.vector_load %arg8[%parallel_loop3A_302, %parallel_loop3A_303, %parallel_loop3A_304] {strides = array<i32>} : memref<2x128x64xf32, #tpu.memory_space<vmem>>, vector<16xf32>,
        %parallel_loop3A_306 = arith.constant 1 : i32
        %parallel_loop3A_307 = arith.index_cast %parallel_loop3A_306 : i32 to index
        %parallel_loop3A_308 = arith.index_cast %parallel_loop3A_268 : i32 to index
        %parallel_loop3A_309 = arith.constant 48 : index
        %parallel_loop3A_310 = tpu.vector_load %arg8[%parallel_loop3A_307, %parallel_loop3A_308, %parallel_loop3A_309] {strides = array<i32>} : memref<2x128x64xf32, #tpu.memory_space<vmem>>, vector<16xf32>,
        %parallel_loop3A_311 = arith.constant 0 : i32
        %parallel_loop3A_312 = vector.broadcast %parallel_loop3A_311 : i32 to vector<16xi32>
        %parallel_loop3A_313 = arith.addi %broadcast_in_dim3A_3, %parallel_loop3A_312 : vector<16xi32>
        %parallel_loop3A_314 = arith.constant 0 : i32
        %parallel_loop3A_315 = vector.broadcast %parallel_loop3A_314 : i32 to vector<16xi32>
        %parallel_loop3A_316 = arith.addi %select_n3A, %parallel_loop3A_315 : vector<16xi32>
        tpu.vector_store_idx %arg10[%parallel_loop3A_313, %parallel_loop3A_316, %select_n3A_48, %parallel_loop3A_270], %parallel_loop3A_275 : memref<2x8x8x129xf32, #tpu.memory_space<vmem>>[vector<16xi32>, vector<16xi32>, vector<16xi32>, vector<16xi32>], vector<16xf32>,
        %parallel_loop3A_317 = arith.constant 0 : i32
        %parallel_loop3A_318 = vector.broadcast %parallel_loop3A_317 : i32 to vector<16xi32>
        %parallel_loop3A_319 = arith.addi %broadcast_in_dim3A_3, %parallel_loop3A_318 : vector<16xi32>
        %parallel_loop3A_320 = arith.constant 2 : i32
        %parallel_loop3A_321 = vector.broadcast %parallel_loop3A_320 : i32 to vector<16xi32>
        %parallel_loop3A_322 = arith.addi %select_n3A, %parallel_loop3A_321 : vector<16xi32>
        tpu.vector_store_idx %arg10[%parallel_loop3A_319, %parallel_loop3A_322, %select_n3A_48, %parallel_loop3A_270], %parallel_loop3A_280 : memref<2x8x8x129xf32, #tpu.memory_space<vmem>>[vector<16xi32>, vector<16xi32>, vector<16xi32>, vector<16xi32>], vector<16xf32>,
        %parallel_loop3A_323 = arith.constant 0 : i32
        %parallel_loop3A_324 = vector.broadcast %parallel_loop3A_323 : i32 to vector<16xi32>
        %parallel_loop3A_325 = arith.addi %broadcast_in_dim3A_3, %parallel_loop3A_324 : vector<16xi32>
        %parallel_loop3A_326 = arith.constant 4 : i32
        %parallel_loop3A_327 = vector.broadcast %parallel_loop3A_326 : i32 to vector<16xi32>
        %parallel_loop3A_328 = arith.addi %select_n3A, %parallel_loop3A_327 : vector<16xi32>
        tpu.vector_store_idx %arg10[%parallel_loop3A_325, %parallel_loop3A_328, %select_n3A_48, %parallel_loop3A_270], %parallel_loop3A_285 : memref<2x8x8x129xf32, #tpu.memory_space<vmem>>[vector<16xi32>, vector<16xi32>, vector<16xi32>, vector<16xi32>], vector<16xf32>,
        %parallel_loop3A_329 = arith.constant 0 : i32
        %parallel_loop3A_330 = vector.broadcast %parallel_loop3A_329 : i32 to vector<16xi32>
        %parallel_loop3A_331 = arith.addi %broadcast_in_dim3A_3, %parallel_loop3A_330 : vector<16xi32>
        %parallel_loop3A_332 = arith.constant 6 : i32
        %parallel_loop3A_333 = vector.broadcast %parallel_loop3A_332 : i32 to vector<16xi32>
        %parallel_loop3A_334 = arith.addi %select_n3A, %parallel_loop3A_333 : vector<16xi32>
        tpu.vector_store_idx %arg10[%parallel_loop3A_331, %parallel_loop3A_334, %select_n3A_48, %parallel_loop3A_270], %parallel_loop3A_290 : memref<2x8x8x129xf32, #tpu.memory_space<vmem>>[vector<16xi32>, vector<16xi32>, vector<16xi32>, vector<16xi32>], vector<16xf32>,
        %parallel_loop3A_335 = arith.constant 1 : i32
        %parallel_loop3A_336 = vector.broadcast %parallel_loop3A_335 : i32 to vector<16xi32>
        %parallel_loop3A_337 = arith.addi %broadcast_in_dim3A_3, %parallel_loop3A_336 : vector<16xi32>
        %parallel_loop3A_338 = arith.constant 0 : i32
        %parallel_loop3A_339 = vector.broadcast %parallel_loop3A_338 : i32 to vector<16xi32>
        %parallel_loop3A_340 = arith.addi %select_n3A, %parallel_loop3A_339 : vector<16xi32>
        tpu.vector_store_idx %arg10[%parallel_loop3A_337, %parallel_loop3A_340, %select_n3A_48, %parallel_loop3A_270], %parallel_loop3A_295 : memref<2x8x8x129xf32, #tpu.memory_space<vmem>>[vector<16xi32>, vector<16xi32>, vector<16xi32>, vector<16xi32>], vector<16xf32>,
        %parallel_loop3A_341 = arith.constant 1 : i32
        %parallel_loop3A_342 = vector.broadcast %parallel_loop3A_341 : i32 to vector<16xi32>
        %parallel_loop3A_343 = arith.addi %broadcast_in_dim3A_3, %parallel_loop3A_342 : vector<16xi32>
        %parallel_loop3A_344 = arith.constant 2 : i32
        %parallel_loop3A_345 = vector.broadcast %parallel_loop3A_344 : i32 to vector<16xi32>
        %parallel_loop3A_346 = arith.addi %select_n3A, %parallel_loop3A_345 : vector<16xi32>
        tpu.vector_store_idx %arg10[%parallel_loop3A_343, %parallel_loop3A_346, %select_n3A_48, %parallel_loop3A_270], %parallel_loop3A_300 : memref<2x8x8x129xf32, #tpu.memory_space<vmem>>[vector<16xi32>, vector<16xi32>, vector<16xi32>, vector<16xi32>], vector<16xf32>,
        %parallel_loop3A_347 = arith.constant 1 : i32
        %parallel_loop3A_348 = vector.broadcast %parallel_loop3A_347 : i32 to vector<16xi32>
        %parallel_loop3A_349 = arith.addi %broadcast_in_dim3A_3, %parallel_loop3A_348 : vector<16xi32>
        %parallel_loop3A_350 = arith.constant 4 : i32
        %parallel_loop3A_351 = vector.broadcast %parallel_loop3A_350 : i32 to vector<16xi32>
        %parallel_loop3A_352 = arith.addi %select_n3A, %parallel_loop3A_351 : vector<16xi32>
        tpu.vector_store_idx %arg10[%parallel_loop3A_349, %parallel_loop3A_352, %select_n3A_48, %parallel_loop3A_270], %parallel_loop3A_305 : memref<2x8x8x129xf32, #tpu.memory_space<vmem>>[vector<16xi32>, vector<16xi32>, vector<16xi32>, vector<16xi32>], vector<16xf32>,
        %parallel_loop3A_353 = arith.constant 1 : i32
        %parallel_loop3A_354 = vector.broadcast %parallel_loop3A_353 : i32 to vector<16xi32>
        %parallel_loop3A_355 = arith.addi %broadcast_in_dim3A_3, %parallel_loop3A_354 : vector<16xi32>
        %parallel_loop3A_356 = arith.constant 6 : i32
        %parallel_loop3A_357 = vector.broadcast %parallel_loop3A_356 : i32 to vector<16xi32>
        %parallel_loop3A_358 = arith.addi %select_n3A, %parallel_loop3A_357 : vector<16xi32>
        tpu.vector_store_idx %arg10[%parallel_loop3A_355, %parallel_loop3A_358, %select_n3A_48, %parallel_loop3A_270], %parallel_loop3A_310 : memref<2x8x8x129xf32, #tpu.memory_space<vmem>>[vector<16xi32>, vector<16xi32>, vector<16xi32>, vector<16xi32>], vector<16xf32>,
      } {sc.loop_unroll_factor = 4 : i64, sc.parallel_access}
      %lt3A_241 = arith.constant 49 : i32
      %lt3A_242 = arith.cmpi slt, %scan3A_136, %lt3A_241 : i32
      %convert_element_type3A_243 = arith.extui %lt3A_242 : i1 to i32
      %cond3A_244 = arith.constant 0 : i32
      %cond3A_245 = arith.cmpi ne, %convert_element_type3A_243, %cond3A_244 : i32
      scf.if %cond3A_245 {
        %add3A_268 = arith.constant 2 : i32
        %add3A_269 = arith.addi %add3A_140, %add3A_268 : i32
        %mul3A_270 = arith.constant 2 : i32
        %mul3A_271 = arith.muli %add3A_269, %mul3A_270 : i32
        %add3A_272 = arith.constant 0 : i32
        %add3A_273 = arith.addi %mul3A_271, %add3A_272 : i32
        %mul3A_274 = arith.constant 128 : i32
        %mul3A_275 = arith.muli %add3A_273, %mul3A_274 : i32
        %dma_start3A_276 = arith.constant 0 : i32
        %dma_start3A_277 = arith.constant 0 : i32
        %dma_start3A_278 = arith.constant 0 : i32
        %dma_start3A_279 = tpu.memref_slice %arg8[%dma_start3A_276, %dma_start3A_277, %dma_start3A_278] : memref<2x128x64xf32, #tpu.memory_space<vmem>> -> memref<1x128x64xf32, #tpu.memory_space<vmem>>
        %dma_start3A_280 = tpu.memref_squeeze %dma_start3A_279 : memref<1x128x64xf32, #tpu.memory_space<vmem>> -> memref<128x64xf32, #tpu.memory_space<vmem>>
        %dma_start3A_281 = tpu.memref_slice %arg6[%mul3A_275] : memref<25600xi32, #tpu.memory_space<vmem>> -> memref<128xi32, #tpu.memory_space<vmem>>
        %dma_start3A_282 = arith.constant 0 : i32
        %dma_start3A_283 = arith.constant 0 : i32
        %dma_start3A_284 = tpu.memref_slice %arg3[%dma_start3A_282, %dma_start3A_283] : memref<100000x64xf32, #tpu.memory_space<hbm>> -> memref<100000x64xf32, #tpu.memory_space<hbm>>
        tpu.enqueue_indirect_dma source(%dma_start3A_284 : memref<100000x64xf32, #tpu.memory_space<hbm>>) target(%dma_start3A_280 : memref<128x64xf32, #tpu.memory_space<vmem>>) offsets(%dma_start3A_281 : memref<128xi32, #tpu.memory_space<vmem>>) semaphore(%arg12 : memref<!tpu.dma_semaphore, #tpu.memory_space<semaphore_mem>>)
        %mul3A_285 = arith.constant 2 : i32
        %mul3A_286 = arith.muli %add3A_269, %mul3A_285 : i32
        %add3A_287 = arith.constant 1 : i32
        %add3A_288 = arith.addi %mul3A_286, %add3A_287 : i32
        %mul3A_289 = arith.constant 128 : i32
        %mul3A_290 = arith.muli %add3A_288, %mul3A_289 : i32
        %dma_start3A_291 = arith.constant 1 : i32
        %dma_start3A_292 = arith.constant 0 : i32
        %dma_start3A_293 = arith.constant 0 : i32
        %dma_start3A_294 = tpu.memref_slice %arg8[%dma_start3A_291, %dma_start3A_292, %dma_start3A_293] : memref<2x128x64xf32, #tpu.memory_space<vmem>> -> memref<1x128x64xf32, #tpu.memory_space<vmem>>
        %dma_start3A_295 = tpu.memref_squeeze %dma_start3A_294 : memref<1x128x64xf32, #tpu.memory_space<vmem>> -> memref<128x64xf32, #tpu.memory_space<vmem>>
        %dma_start3A_296 = tpu.memref_slice %arg6[%mul3A_290] : memref<25600xi32, #tpu.memory_space<vmem>> -> memref<128xi32, #tpu.memory_space<vmem>>
        %dma_start3A_297 = arith.constant 0 : i32
        %dma_start3A_298 = arith.constant 0 : i32
        %dma_start3A_299 = tpu.memref_slice %arg3[%dma_start3A_297, %dma_start3A_298] : memref<100000x64xf32, #tpu.memory_space<hbm>> -> memref<100000x64xf32, #tpu.memory_space<hbm>>
        tpu.enqueue_indirect_dma source(%dma_start3A_299 : memref<100000x64xf32, #tpu.memory_space<hbm>>) target(%dma_start3A_295 : memref<128x64xf32, #tpu.memory_space<vmem>>) offsets(%dma_start3A_296 : memref<128xi32, #tpu.memory_space<vmem>>) semaphore(%arg12 : memref<!tpu.dma_semaphore, #tpu.memory_space<semaphore_mem>>)
      } else {
      }
      %mul3A_246 = arith.constant 2 : i32
      %mul3A_247 = arith.muli %add3A_140, %mul3A_246 : i32
      %dma_start3A_248 = arith.constant 0 : i32
      %dma_start3A_249 = arith.constant 0 : i32
      %dma_start3A_250 = arith.constant 0 : i32
      %dma_start3A_251 = arith.constant 0 : i32
      %dma_start3A_252 = tpu.memref_slice %arg10[%dma_start3A_248, %dma_start3A_249, %dma_start3A_250, %dma_start3A_251] : memref<2x8x8x129xf32, #tpu.memory_space<vmem>> -> memref<2x8x8x128xf32, #tpu.memory_space<vmem>>
      %dma_start3A_253 = arith.constant 0 : i32
      %dma_start3A_254 = arith.constant 0 : i32
      %dma_start3A_255 = arith.constant 0 : i32
      %dma_start3A_256 = tpu.memref_slice %arg4[%mul3A_247, %dma_start3A_253, %add3A, %dma_start3A_254, %dma_start3A_255] : memref<200x8x32x8x128xf32, #tpu.memory_space<hbm>> -> memref<2x8x1x8x128xf32, #tpu.memory_space<hbm>>
      %dma_start3A_257 = tpu.memref_squeeze %dma_start3A_256 : memref<2x8x1x8x128xf32, #tpu.memory_space<hbm>> -> memref<2x8x8x128xf32, #tpu.memory_space<hbm>>
      %dma_start3A_258 = arith.constant 0 : i32
      %dma_start3A_259 = arith.constant 0 : i32
      %dma_start3A_260 = arith.constant 0 : i32
      %dma_start3A_261 = tpu.memref_slice %arg4[%mul3A_247, %dma_start3A_258, %add3A, %dma_start3A_259, %dma_start3A_260] : memref<200x8x32x8x128xf32, #tpu.memory_space<hbm>> -> memref<2x8x1x8x128xf32, #tpu.memory_space<hbm>>
      %dma_start3A_262 = tpu.memref_squeeze %dma_start3A_261 : memref<2x8x1x8x128xf32, #tpu.memory_space<hbm>> -> memref<2x8x8x128xf32, #tpu.memory_space<hbm>>
      %dma_start3A_263 = arith.constant 0 : i32
      %dma_start3A_264 = arith.constant 0 : i32
      %dma_start3A_265 = arith.constant 0 : i32
      %dma_start3A_266 = arith.constant 0 : i32
      %dma_start3A_267 = tpu.memref_slice %arg10[%dma_start3A_263, %dma_start3A_264, %dma_start3A_265, %dma_start3A_266] : memref<2x8x8x129xf32, #tpu.memory_space<vmem>> -> memref<2x8x8x128xf32, #tpu.memory_space<vmem>>
      tpu.enqueue_dma source(%dma_start3A_267 : memref<2x8x8x128xf32, #tpu.memory_space<vmem>>) target(%dma_start3A_262 : memref<2x8x8x128xf32, #tpu.memory_space<hbm>>) target_semaphore(%arg14 : memref<!tpu.dma_semaphore, #tpu.memory_space<semaphore_mem>>)
    }
    %scan3A_92 = arith.constant 50 : i32
    %dma_wait3A = arith.constant 0 : i32
    %dma_wait3A_93 = arith.constant 0 : i32
    %dma_wait3A_94 = arith.constant 0 : i32
    %dma_wait3A_95 = arith.constant 0 : i32
    %dma_wait3A_96 = tpu.memref_slice %arg9[%dma_wait3A, %dma_wait3A_93, %dma_wait3A_94, %dma_wait3A_95] : memref<2x8x8x129xf32, #tpu.memory_space<vmem>> -> memref<2x8x8x128xf32, #tpu.memory_space<vmem>>
    %dma_wait3A_97 = arith.constant 196 : i32
    %dma_wait3A_98 = arith.constant 0 : i32
    %dma_wait3A_99 = arith.constant 0 : i32
    %dma_wait3A_100 = arith.constant 0 : i32
    %dma_wait3A_101 = tpu.memref_slice %arg4[%dma_wait3A_97, %dma_wait3A_98, %add3A, %dma_wait3A_99, %dma_wait3A_100] : memref<200x8x32x8x128xf32, #tpu.memory_space<hbm>> -> memref<2x8x1x8x128xf32, #tpu.memory_space<hbm>>
    %dma_wait3A_102 = tpu.memref_squeeze %dma_wait3A_101 : memref<2x8x1x8x128xf32, #tpu.memory_space<hbm>> -> memref<2x8x8x128xf32, #tpu.memory_space<hbm>>
    %dma_wait3A_103 = arith.constant 196 : i32
    %dma_wait3A_104 = arith.constant 0 : i32
    %dma_wait3A_105 = arith.constant 0 : i32
    %dma_wait3A_106 = arith.constant 0 : i32
    %dma_wait3A_107 = tpu.memref_slice %arg4[%dma_wait3A_103, %dma_wait3A_104, %add3A, %dma_wait3A_105, %dma_wait3A_106] : memref<200x8x32x8x128xf32, #tpu.memory_space<hbm>> -> memref<2x8x1x8x128xf32, #tpu.memory_space<hbm>>
    %dma_wait3A_108 = tpu.memref_squeeze %dma_wait3A_107 : memref<2x8x1x8x128xf32, #tpu.memory_space<hbm>> -> memref<2x8x8x128xf32, #tpu.memory_space<hbm>>
    %dma_wait3A_109 = arith.constant 0 : i32
    %dma_wait3A_110 = arith.constant 0 : i32
    %dma_wait3A_111 = arith.constant 0 : i32
    %dma_wait3A_112 = arith.constant 0 : i32
    %dma_wait3A_113 = tpu.memref_slice %arg9[%dma_wait3A_109, %dma_wait3A_110, %dma_wait3A_111, %dma_wait3A_112] : memref<2x8x8x129xf32, #tpu.memory_space<vmem>> -> memref<2x8x8x128xf32, #tpu.memory_space<vmem>>
    tpu.wait_dma2 semaphore(%arg13 : memref<!tpu.dma_semaphore, #tpu.memory_space<semaphore_mem>>) src(%dma_wait3A_113 : memref<2x8x8x128xf32, #tpu.memory_space<vmem>>) dst(%dma_wait3A_108 : memref<2x8x8x128xf32, #tpu.memory_space<hbm>>)
    %dma_wait3A_114 = arith.constant 0 : i32
    %dma_wait3A_115 = arith.constant 0 : i32
    %dma_wait3A_116 = arith.constant 0 : i32
    %dma_wait3A_117 = arith.constant 0 : i32
    %dma_wait3A_118 = tpu.memref_slice %arg10[%dma_wait3A_114, %dma_wait3A_115, %dma_wait3A_116, %dma_wait3A_117] : memref<2x8x8x129xf32, #tpu.memory_space<vmem>> -> memref<2x8x8x128xf32, #tpu.memory_space<vmem>>
    %dma_wait3A_119 = arith.constant 198 : i32
    %dma_wait3A_120 = arith.constant 0 : i32
    %dma_wait3A_121 = arith.constant 0 : i32
    %dma_wait3A_122 = arith.constant 0 : i32
    %dma_wait3A_123 = tpu.memref_slice %arg4[%dma_wait3A_119, %dma_wait3A_120, %add3A, %dma_wait3A_121, %dma_wait3A_122] : memref<200x8x32x8x128xf32, #tpu.memory_space<hbm>> -> memref<2x8x1x8x128xf32, #tpu.memory_space<hbm>>
    %dma_wait3A_124 = tpu.memref_squeeze %dma_wait3A_123 : memref<2x8x1x8x128xf32, #tpu.memory_space<hbm>> -> memref<2x8x8x128xf32, #tpu.memory_space<hbm>>
    %dma_wait3A_125 = arith.constant 198 : i32
    %dma_wait3A_126 = arith.constant 0 : i32
    %dma_wait3A_127 = arith.constant 0 : i32
    %dma_wait3A_128 = arith.constant 0 : i32
    %dma_wait3A_129 = tpu.memref_slice %arg4[%dma_wait3A_125, %dma_wait3A_126, %add3A, %dma_wait3A_127, %dma_wait3A_128] : memref<200x8x32x8x128xf32, #tpu.memory_space<hbm>> -> memref<2x8x1x8x128xf32, #tpu.memory_space<hbm>>
    %dma_wait3A_130 = tpu.memref_squeeze %dma_wait3A_129 : memref<2x8x1x8x128xf32, #tpu.memory_space<hbm>> -> memref<2x8x8x128xf32, #tpu.memory_space<hbm>>
    %dma_wait3A_131 = arith.constant 0 : i32
    %dma_wait3A_132 = arith.constant 0 : i32
    %dma_wait3A_133 = arith.constant 0 : i32
    %dma_wait3A_134 = arith.constant 0 : i32
    %dma_wait3A_135 = tpu.memref_slice %arg10[%dma_wait3A_131, %dma_wait3A_132, %dma_wait3A_133, %dma_wait3A_134] : memref<2x8x8x129xf32, #tpu.memory_space<vmem>> -> memref<2x8x8x128xf32, #tpu.memory_space<vmem>>
    tpu.wait_dma2 semaphore(%arg14 : memref<!tpu.dma_semaphore, #tpu.memory_space<semaphore_mem>>) src(%dma_wait3A_135 : memref<2x8x8x128xf32, #tpu.memory_space<vmem>>) dst(%dma_wait3A_130 : memref<2x8x8x128xf32, #tpu.memory_space<hbm>>)
    return
  }
}

</mosaic_0001>

<sc_bundles>
// kernel: kernel.3.cloned.1.call-start
scs
__scs_entry_jumppad:
0x0: {  	(pc) =	sbr.rel $0x88, $3  }
0x1: {  	(tag) =	ssettag $0x0;
	lr =	simm.s32 $0x1  }
0x2: {  	[smem:$0x3F9F] =	sst lr;
	_ =	strace $0xD0000000  }
0x3: {  	_ = 	snop  }
0x4: {  	_ = 	snop  }
0x5: {  	_ = 	snop  }
0x6: {  	_ = 	snop  }
0x7: {  	_ = 	snop  }
__scs_overlays_trampoline_lowered:
0x8: {  	[smem:$0x3FAE] =	sst s0  }
0x9: {  	[smem:$0x3FAF] =	sst s1  }
0xa: {  	[smem:$0x3FB0] =	sst s2  }
0xb: {  	[smem:$0x3FB1] =	sst s3  }
0xc: {  	[smem:$0x3FB2] =	sst s4  }
0xd: {  	[smem:$0x3FB3] =	sst s5  }
0xe: {  	[smem:$0x3FB4] =	sst s6  }
0xf: {  	[smem:$0x3FB5] =	sst s7  }
0x10: {  	[smem:$0x3FB6] =	sst s8  }
0x11: {  	[smem:$0x3FB7] =	sst s9;
	s0 =	simm.s32 @!p0 $0x0  }
0x12: {  	s1 =	sld [smem:$0x3F9D];
	s0 =	simm.s32 @p0 $0x1  }
0x13: {  	[smem:$0x3FB8] =	sst s0;
	s0 =	simm.s32 @!p1 $0x0  }
0x14: {  	s2 =	sld [smem:$0x3F9C];
	s0 =	simm.s32 @p1 $0x1  }
0x15: {  	[smem:$0x3FB9] =	sst s0;
	s0 =	simm.s32 @!p2 $0x0  }
0x16: {  	s3 =	sld [smem:$0x3FDB];
	s0 =	simm.s32 @p2 $0x1  }
0x17: {  	s4 =	simm.s32 $0x1BF5;
	[smem:$0x3FBB] =	sst s0  }
0x18: {  	s0 =	sld [smem:$0x3F9E];
	_ =	swait.ge [sflag:s4], $0x0  }
0x19: {  	s7 =	sld [smem:$0x3F9F]  }
0x1a: {  	s8 =	sadd.s32 $0xFFFFE003, lr  }
0x1b: {  	s9 =	sadd.s32 $0xFFFFFEF7, lr;
	s5 =	simm.s32 $0xFFFFFFFF;
	p2 =	slt.u32 s8, $0xFFFFF086  }
0x1c: {  	p1 =	slt.u32 s9, $0xF7A;
	s5 =	simm.s32 @!p2 $0x0  }
0x1d: {  	s5 =	simm.s32 @p1 $0x1;
	p0 =	seq.s32 s7, s2  }
0x1e: {  	s7 =	smul.u32 @!p0 $0xF7A, s2;
	p2 =	seq.s32 @!p0 s5, $0x0  }
0x1f: {  	s9 =	smul.u32 $0xF7A, s1;
	s8 =	simm.s32 @!p0 $0x1BF5;
	p2 =	por !p2, p0  }
0x20: {  	[sflag:s8] =	ssyncset.s32 @!p0 $0xFFFFF086;
	s6 =	sadd.s32 @!p0 s3, s7;
	s7 =	simm.s32 @!p0 $0x108  }
0x21: {  	s3 =	sadd.s32 s3, s9;
	s6 =	sadd.s32 @!p0 $0x88, s6;
	s7 =	simm.s32 @p2 $0x1082  }
0x22: {  	[simem:s7], [sflag:s8] =	dma.local @!p0 [hbm:s6], $0xF7A  }
0x23: {  	s9 =	sor.u32 $0xD0000000, s2;
	s6 =	simm.s32 $0x108;
	_ =	swait.ge @!p0 [sflag:s8], $0x0  }
0x24: {  	s3 =	sadd.s32 $0x88, s3;
	s6 =	simm.s32 @!p1 $0x1082;
	[sflag:s4] =	ssyncset.s32 $0xFFFFF086  }
0x25: {  	[simem:s6], [sflag:s4] =	dma.local [hbm:s3], $0xF7A  }
0x26: {  	[smem:$0x3F9F] =	sst s1;
	(tag) =	ssettag s2;
	_ =	strace s9  }
0x27: {  	s1 =	sld [smem:$0x3FAF]  }
0x28: {  	s2 =	sld [smem:$0x3FB0]  }
0x29: {  	s4 =	sld [smem:$0x3FB2]  }
0x2a: {  	p0 =	seq.s32 s5, $0x0;
	s5 =	sld [smem:$0x3FB3]  }
0x2b: {  	s6 =	sld [smem:$0x3FB4]  }
0x2c: {  	s7 =	sld [smem:$0x3FB5]  }
0x2d: {  	s3 =	simm.s32 $0x108;
	s8 =	sld [smem:$0x3FB6]  }
0x2e: {  	s3 =	simm.s32 @!p0 $0x1082;
	s9 =	sld [smem:$0x3FB7]  }
0x2f: {  	lr =	sadd.s32 s0, s3;
	s0 =	sld [smem:$0x3FAE]  }
0x30: {  	s3 =	sld [smem:$0x3FB1]  }
0x31: {  	[smem:$0x3FBA] =	sst s10  }
0x32: {  	s10 =	sld [smem:$0x3FB8];
	_ =	sdelay $0x3  }
0x33: {  	p0 =	seq.s32 s10, $0x1;
	s10 =	sld [smem:$0x3FBA];
	_ =	sdelay $0x3  }
0x34: {  	[smem:$0x3FBA] =	sst s10  }
0x35: {  	s10 =	sld [smem:$0x3FB9];
	_ =	sdelay $0x3  }
0x36: {  	p1 =	seq.s32 s10, $0x1;
	s10 =	sld [smem:$0x3FBA];
	_ =	sdelay $0x3  }
0x37: {  	[smem:$0x3FBA] =	sst s10  }
0x38: {  	s10 =	sld [smem:$0x3FBB]  }
0x39: {  	_ = 	snop;
	(pc) =	sbr.ind lr, $3  }
0x3a: {  	_ = 	snop  }
0x3b: {  	_ = 	snop  }
0x3c: {  	p2 =	seq.s32 s10, $0x1;
	s10 =	sld [smem:$0x3FBA]  }
0x3d: {  	_ =	shalt  }
0x3e: {  	_ =	shalt  }
0x3f: {  	_ =	shalt  }
0x40: {  	_ =	shalt  }
0x41: {  	_ =	shalt  }
0x42: {  	_ =	shalt  }
0x43: {  	_ =	shalt  }
0x44: {  	_ =	shalt  }
0x45: {  	_ =	shalt  }
0x46: {  	_ =	shalt  }
0x47: {  	_ =	shalt  }
0x48: {  	_ =	shalt  }
0x49: {  	_ =	shalt  }
0x4a: {  	_ =	shalt  }
0x4b: {  	_ =	shalt  }
0x4c: {  	_ =	shalt  }
0x4d: {  	_ =	shalt  }
0x4e: {  	_ =	shalt  }
0x4f: {  	_ =	shalt  }
0x50: {  	_ =	shalt  }
0x51: {  	_ =	shalt  }
0x52: {  	_ =	shalt  }
0x53: {  	_ =	shalt  }
0x54: {  	_ =	shalt  }
0x55: {  	_ =	shalt  }
0x56: {  	_ =	shalt  }
0x57: {  	_ =	shalt  }
0x58: {  	_ =	shalt  }
0x59: {  	_ =	shalt  }
0x5a: {  	_ =	shalt  }
0x5b: {  	_ =	shalt  }
0x5c: {  	_ =	shalt  }
0x5d: {  	_ =	shalt  }
0x5e: {  	_ =	shalt  }
0x5f: {  	_ =	shalt  }
0x60: {  	_ =	shalt  }
0x61: {  	_ =	shalt  }
0x62: {  	_ =	shalt  }
0x63: {  	_ =	shalt  }
0x64: {  	_ =	shalt  }
0x65: {  	_ =	shalt  }
0x66: {  	_ =	shalt  }
0x67: {  	_ =	shalt  }
0x68: {  	_ =	shalt  }
0x69: {  	_ =	shalt  }
0x6a: {  	_ =	shalt  }
0x6b: {  	_ =	shalt  }
0x6c: {  	_ =	shalt  }
0x6d: {  	_ =	shalt  }
0x6e: {  	_ =	shalt  }
0x6f: {  	_ =	shalt  }
0x70: {  	_ =	shalt  }
0x71: {  	_ =	shalt  }
0x72: {  	_ =	shalt  }
0x73: {  	_ =	shalt  }
0x74: {  	_ =	shalt  }
0x75: {  	_ =	shalt  }
0x76: {  	_ =	shalt  }
0x77: {  	_ =	shalt  }
0x78: {  	_ =	shalt  }
0x79: {  	_ =	shalt  }
0x7a: {  	_ =	shalt  }
0x7b: {  	_ =	shalt  }
0x7c: {  	_ =	shalt  }
0x7d: {  	_ =	shalt  }
0x7e: {  	_ =	shalt  }
0x7f: {  	_ =	shalt  }
0x80: {  	_ =	shalt  }
0x81: {  	_ =	shalt  }
0x82: {  	_ =	shalt  }
0x83: {  	_ =	shalt  }
0x84: {  	_ =	shalt  }
0x85: {  	_ =	shalt  }
0x86: {  	_ =	shalt  }
0x87: {  	_ =	shalt  }
.Lfunc_end0:
.L_simem_size_0:
called_computation_lowered:
.L_overlay_start_0:
0x88: {  	s2 =	sld [smem:$0x3FD9]  }
0x89: {  	s3 =	sld [smem:$0x3FFE];
	_ =	sdelay $0x1  }
0x8a: {  	s1 =	srdreg.scid  }
0x8b: {  	s0 =	sand.u32 $0x1, s1  }
0x8c: {  	s17 =	sshll.u32 s0, $0xA;
	s2 =	sadd.s32 s3, s2  }
0x8d: {  	s2 =	sadd.s32 s2, s17  }
0x8e: {  	[smem:$0x3FC6] =	sst s2  }
0x8f: {  	_ = 	snop  }
0x90: {  	s2 =	sld [smem:$0x3FD0];
	(tm) =	ssettm $0x1  }
0x91: {  	s18 =	sld [smem:$0x3FFB];
	_ =	sdelay $0x3  }
0x92: {  	_ =	strace s18  }
0x93: {  	s3 =	sld [smem:$0x3FFC];
	_ =	sdelay $0x3  }
0x94: {  	_ =	strace s3  }
0x95: {  	s3 =	sld [smem:$0x3FFD];
	_ =	sdelay $0x3  }
0x96: {  	_ =	strace s3  }
0x97: {  	_ =	strace $0x8FFFFFFF  }
0x98: {  	s19 =	sld [smem:$0x3FDB];
	_ =	sdelay $0x1  }
0x99: {  	s4 =	simm.s32 $_scs_section_size  }
0x9a: {  	s5 =	simm.s32 $_size__tile_overlayer_lowered;
	s6 =	simm.s32 $_tile_overlayer_lowered  }
0x9b: {  	s22 =	simm.s32 $0x1BFF;
	s21 =	sshll.u32 s6, $0x1;
	s3 =	sadd.s32 s4, s19  }
0x9c: {  	s7 =	simm.s32 $0x0;
	s20 =	sshll.u32 s5, $0x1;
	s5 =	sadd.s32 s21, s3  }
0x9d: {  	[timem:s7], [sflag:s22] =	dma.local [hbm:s5], s20  }
0x9e: {  	_ =	swait.ge [sflag:s22], s20  }
0x9f: {  	s4 =	ssub.s32 $0x0, s20;
	[sflag:s22] =	ssyncset.done $0x0  }
0xa0: {  	[sflag:s22] =	ssyncadd.s32 s4;
	_ =	sdelay $0x1  }
0xa1: {  	s23 =	simm.s32 $0x1B8B  }
0xa2: {  	_ =	swait.ge [sflag:s23], $0x1  }
0xa3: {  	[sflag:s23] =	ssyncset.done $0x0  }
0xa4: {  	s25 =	simm.s32 $0x1B8E;
	s24 =	sld [smem:$0x3FFE];
	[sflag:s23] =	ssyncadd.s32 $0xFFFFFFFF  }
0xa5: {  	s26 =	simm.s32 $execute0_lowered;
	[smem:$0x3FD2] =	sst s25  }
0xa6: {  	s5 =	sshll.u32 s26, $0x1;
	_ =	strace $0x80000046;
	[dreg:$0x1] =	wrdreg $0xFFFFFFFF  }
0xa7: {  	s28 =	simm.s32 $_size_execute0_lowered;
	s3 =	sadd.s32 s3, s5;
	[dreg:$0x0] =	wrdreg $0x0  }
0xa8: {  	s5 =	sshll.u32 s28, $0x1;
	[dreg:$0x2] =	wrdreg s3  }
0xa9: {  	[dreg:$0x3] =	wrdreg s5  }
0xaa: {  	[dreg:$0x4] =	wrdreg $0xC0  }
0xab: {  	_ =	task [dreg:s7], $0x5FFFF  }
0xac: {  	[dreg:$0x1] =	wrdreg $0xFFFFFFFF  }
0xad: {  	[dreg:$0x0] =	wrdreg $0x60  }
0xae: {  	[dreg:$0x2] =	wrdreg s24  }
0xaf: {  	[dreg:$0x3] =	wrdreg s2  }
0xb0: {  	[dreg:$0x4] =	wrdreg $0x9  }
0xb1: {  	_ =	task.clear_ibuf [dreg:s7], $0x5FFFF;
	_ =	strace $0x90000046  }
0xb2: {  	s29 =	simm.s32 $0x9;
	_ =	strace $0x80000048  }
0xb3: {  	_ =	swait.ge [sflag:s29], $0x1  }
0xb4: {  	[sflag:s29] =	ssyncadd.s32 $0xFFFFFFFF  }
0xb5: {  	_ =	strace $0x90000048  }
0xb6: {  	_ =	sfence  }
0xb7: {  	s30 =	sld [smem:$0x0];
	_ =	sdelay $0x2  }
0xb8: {  	s31 =	sshll.u32 s1, $0xD;
	s1 =	sshrl.u32 s1, $0x2  }
0xb9: {  	s3 =	sand.u32 $0x4000, s31;
	s1 =	sadd.s32 s1, s30  }
0xba: {  	s0 =	sor.u32 s3, s0;
	s1 =	sshll.u32 s1, $0x11  }
0xbb: {  	s0 =	sor.u32 s1, s0  }
0xbc: {  	s0 =	sadd.s32 $0x8F2B, s0  }
0xbd: {  	[sflag:s0] =	ssyncadd.remote.s32 $0x1  }
0xbe: {  	_ =	sfence.sel $0xFFFF  }
0xbf: {  	[dreg:$0x0] =	wrdreg $0xFFFFFFFF;
	(pc) =	sbr.abs _section_cstart, $3  }
0xc0: {  	[dreg:$0x1] =	wrdreg $0xFFFFFFFF  }
0xc1: {  	_ =	task.clear_ibuf [dreg:s7], $0x2FFFF;
	_ =	strace $0x9FFFFFFF  }
0xc2: {  	(tm) =	ssettm $0x7FFFFFFF  }
0xc3: {  	_ =	shalt  }
tec
execute0_lowered:
.L_overlay_start_1:
0x0: {  	(tag) =	ssettag $0x1  }
0x1: {  	s0 =	rddreg [dreg:$0x0];
	s1 =	srdreg.scid  }
0x2: {  	s3 =	stileid.u32;
	s2 =	rddreg [dreg:$0x1];
	s9 =	simm.s32 $0x5  }
0x3: {  	s10 =	simm.s32 $0x80;
	s13 =	simm.s32 $0x6480;
	s14 =	simm.s32 $0xE800  }
0x4: {  	s15 =	simm.s32 $0x6500;
	s16 =	simm.s32 $0x10800;
	s17 =	simm.s32 $0x6580  }
0x5: {  	v3 =	vlaneseq.u32;
	s18 =	simm.s32 $0x12800;
	s19 =	simm.s32 $0x1;
	s20 =	simm.s32 $0x14800  }
0x6: {  	s21 =	simm.s32 $0x2;
	s22 =	simm.s32 $0x18C00;
	s23 =	simm.s32 $0x3;
	v0 =	vmul.u32 $0xC8, v3  }
0x7: {  	s24 =	simm.s32 $0x4;
	s1 =	sand.u32 $0x1, s1;
	s4 =	sshll.u32 s3, $0x1  }
0x8: {  	s25 =	simm.s32 $0x0;
	s3 =	simm.s32 $0x0;
	v3 =	vmul.u32 $0x88, v3;
	s6 =	sor.u32 s1, s4;
	v1 =	vadd.s32 $0xC80, v0;
	v2 =	vadd.s32 $0x1900, v0  }
0x9: {  	[smem:$0x7FF] =	sst s3;
	s1 =	ssub.s32 $0x2, s1;
	s4 =	smul.u32 $0xC80, s6;
	v4 =	vadd.s32 $0x2580, v0;
	v5 =	vadd.s32 $0x3200, v0;
	v6 =	vadd.s32 $0x3E80, v0  }
0xa: {  	_ =	strace $0x80000047;
	s5 =	sshrl.u32 s1, $0x1;
	s6 =	sshll.u32 s6, $0x7;
	v7 =	vadd.s32 $0x4B00, v0;
	v8 =	vadd.s32 $0x5780, v0;
	v9 =	vadd.s32 $0x880, v3  }
0xb: {  	v10 =	vadd.s32 $0x1100, v3;
	v11 =	vadd.s32 $0x1980, v3;
	v12 =	vadd.s32 $0x2200, v3;
	s31 =	ssub.s32 s1, s5;
	s7 =	sadd.s32 s4, s0;
	s4 =	sadd.s32 $0x19400, s0  }
0xc: {  	v13 =	vadd.s32 $0x2A80, v3;
	v14 =	vadd.s32 $0x3300, v3;
	v15 =	vadd.s32 $0x3B80, v3;
	s8 =	smax.u32 s31, $0x1;
	s5 =	sadd.s32 $0x400, s7;
	s7 =	sadd.s32 $0x10000, s2  }
.LBB2_1:
0xd: {  	s0 =	simm.s32 $0x1  }
0xe: {  	v16 =	vmov s0  }
0xf: {  	v16 =	vand.u32 $0xFF, v16  }
0x10: {  	v17 =	vadd.s32 v0, v16  }
0x11: {  	[tilespmem:s3], [sflag:$0x5] =	stream.linear.gather [hbm4b:s5+s3], $0x6400, $0x38;
	v18 =	vadd.s32 v8, v16;
	[tilespmem:$0x1D000] =	vst v63  }
0x12: {  	_ =	swait.ge [sflag:s9], $0x6400;
	v19 =	vadd.s32 v1, v16  }
0x13: {  	[sflag:s9] =	ssyncset.done $0x0;
	v20 =	vadd.s32 v2, v16  }
0x14: {  	[sflag:s9] =	ssyncadd.s32 $0xFFFF9C00;
	v21 =	vadd.s32 v4, v16  }
0x15: {  	v23 =	vld.idx.msk [tilespmem:v17+s3+$0x0], $0xffff;
	v17 =	vadd.s32 v5, v16  }
0x16: {  	v26 =	vadd.s32 v7, v16;
	v25 =	vld.idx.msk [tilespmem:v18+s3+$0x0], $0xffff  }
0x17: {  	v24 =	vadd.s32 v6, v16;
	v18 =	vmov s3;
	v30 =	vld.idx.msk [tilespmem:v19+s3+$0x0], $0xffff  }
0x18: {  	v22 =	vld.idx.msk [tilespmem:v20+s3+$0x0], $0xffff;
	v16 =	vand.u32 $0xFE, v18  }
0x19: {  	v21 =	vld.idx.msk [tilespmem:v21+s3+$0x0], $0xffff;
	v20 =	vadd.s32 v0, v16  }
0x1a: {  	v28 =	vadd.s32 v1, v16;
	v19 =	vld.idx.msk [tilespmem:v17+s3+$0x0], $0xffff  }
0x1b: {  	v17 =	vld.idx.msk [tilespmem:v26+s3+$0x0], $0xffff;
	v26 =	vadd.s32 v2, v16  }
0x1c: {  	v18 =	vld.idx.msk [tilespmem:v24+s3+$0x0], $0xffff;
	[tilespmem:s13+$0x70] =	vst v25;
	v25 =	vadd.s32 v4, v16  }
0x1d: {  	v24 =	vadd.s32 v5, v16  }
0x1e: {  	s31 =	simm.s32 $0x3;
	v27 =	vadd.s32 v6, v16;
	[tilespmem:s13+$0x0] =	vst v23;
	v20 =	vld.idx.msk [tilespmem:v20+s3+$0x0], $0xffff  }
0x1f: {  	s26 =	simm.s32 $0x2;
	s28 =	simm.s32 $0x4;
	s1 =	simm.s32 $0x6480;
	v29 =	vmov s31;
	[tilespmem:s13+$0x10] =	vst v30;
	v23 =	vld.idx.msk [tilespmem:v28+s3+$0x0], $0xffff;
	v28 =	vadd.s32 v7, v16  }
.LBB2_2:
0x20: {  	p0 =	slt.u32 s28, $0xC6;
	v29 =	vand.u32 $0xFF, v29;
	v26 =	vld.idx.msk [tilespmem:v26+s3+$0x0], $0xffff;
	v16 =	vadd.s32 v8, v16;
	[tilespmem:s1+$0x20] =	vst v22  }
0x21: {  	v22 =	vadd.s32 v0, v29;
	v25 =	vld.idx.msk [tilespmem:v25+s3+$0x0], $0xffff;
	[tilespmem:s1+$0x30] =	vst v21  }
0x22: {  	v21 =	vadd.s32 v8, v29;
	v24 =	vld.idx.msk [tilespmem:v24+s3+$0x0], $0xffff;
	[tilespmem:s1+$0x40] =	vst v19  }
0x23: {  	v19 =	vadd.s32 v1, v29;
	v27 =	vld.idx.msk [tilespmem:v27+s3+$0x0], $0xffff;
	[tilespmem:s1+$0x50] =	vst v18  }
0x24: {  	v18 =	vadd.s32 v2, v29;
	v28 =	vld.idx.msk [tilespmem:v28+s3+$0x0], $0xffff;
	[tilespmem:s1+$0x60] =	vst v17  }
0x25: {  	v17 =	vadd.s32 v4, v29;
	v30 =	vld.idx.msk [tilespmem:v16+s3+$0x0], $0xffff;
	[tilespmem:s1+$0xFFFFFF80] =	vst v20  }
0x26: {  	v20 =	vadd.s32 v5, v29;
	v31 =	vld.idx.msk [tilespmem:v22+s3+$0x0], $0xffff;
	[tilespmem:s1+$0xFFFFFF90] =	vst v23  }
0x27: {  	v16 =	vmov s26;
	s26 =	smov.u32 s28;
	v23 =	vadd.s32 v6, v29;
	v32 =	vld.idx.msk [tilespmem:v21+s3+$0x0], $0xffff;
	[tilespmem:s1+$0xFFFFFFA0] =	vst v26  }
0x28: {  	v16 =	vand.u32 $0xFE, v16;
	v29 =	vadd.s32 v7, v29;
	v33 =	vld.idx.msk [tilespmem:v19+s3+$0x0], $0xffff;
	[tilespmem:s1+$0xFFFFFFB0] =	vst v25  }
0x29: {  	v34 =	vadd.s32 v0, v16;
	v22 =	vld.idx.msk [tilespmem:v18+s3+$0x0], $0xffff;
	[tilespmem:s1+$0xFFFFFFC0] =	vst v24  }
0x2a: {  	v35 =	vadd.s32 v1, v16;
	v21 =	vld.idx.msk [tilespmem:v17+s3+$0x0], $0xffff;
	[tilespmem:s1+$0xFFFFFFD0] =	vst v27  }
.Ltmp0:
0x2b: {  	v26 =	vadd.s32 v2, v16;
	v19 =	vld.idx.msk [tilespmem:v20+s3+$0x0], $0xffff;
	[tilespmem:s1+$0xFFFFFFE0] =	vst v28;
	(pc) =	sbr.rel @p0 .LBB2_2-.Ltmp0, $4  }
0x2c: {  	v25 =	vadd.s32 v4, v16;
	v18 =	vld.idx.msk [tilespmem:v23+s3+$0x0], $0xffff;
	[tilespmem:s1+$0xFFFFFFF0] =	vst v30;
	s1 =	sadd.s32 $0x100, s1  }
0x2d: {  	v24 =	vadd.s32 v5, v16;
	v17 =	vld.idx.msk [tilespmem:v29+s3+$0x0], $0xffff;
	[tilespmem:s1+$0x70] =	vst v32  }
0x2e: {  	s0 =	sadd.s32 $0x1, s28;
	v27 =	vadd.s32 v6, v16;
	v20 =	vld.idx.msk [tilespmem:v34+s3+$0x0], $0xffff;
	[tilespmem:s1+$0x0] =	vst v31  }
0x2f: {  	s28 =	sadd.s32 $0x2, s28;
	v28 =	vadd.s32 v7, v16;
	v29 =	vmov s0;
	v23 =	vld.idx.msk [tilespmem:v35+s3+$0x0], $0xffff;
	[tilespmem:s1+$0x10] =	vst v33  }
0x30: {  	_ =	sdelay $0x3  }
0x31: {  	v29 =	vand.u32 $0xFF, v29;
	v26 =	vld.idx.msk [tilespmem:v26+s3+$0x0], $0xffff;
	v16 =	vadd.s32 v8, v16;
	[tilespmem:s1+$0x20] =	vst v22  }
0x32: {  	v25 =	vld.idx.msk [tilespmem:v25+s3+$0x0], $0xffff;
	[tilespmem:s1+$0x30] =	vst v21;
	v44 =	vadd.s32 v0, v29  }
0x33: {  	v24 =	vld.idx.msk [tilespmem:v24+s3+$0x0], $0xffff;
	[tilespmem:s1+$0x40] =	vst v19;
	v45 =	vadd.s32 v8, v29  }
0x34: {  	v27 =	vld.idx.msk [tilespmem:v27+s3+$0x0], $0xffff;
	v46 =	vadd.s32 v1, v29;
	[tilespmem:s1+$0x50] =	vst v18  }
0x35: {  	v28 =	vld.idx.msk [tilespmem:v28+s3+$0x0], $0xffff;
	v47 =	vadd.s32 v2, v29;
	[tilespmem:s1+$0x60] =	vst v17  }
0x36: {  	v49 =	vadd.s32 v5, v29;
	v16 =	vld.idx.msk [tilespmem:v16+s3+$0x0], $0xffff;
	[tilespmem:s1+$0xFFFFFF80] =	vst v20  }
0x37: {  	v30 =	vadd.s32 v6, v29;
	[tilespmem:s1+$0xFFFFFF90] =	vst v23;
	v48 =	vld.idx.msk [tilespmem:v44+s3+$0x0], $0xffff  }
0x38: {  	v50 =	vmov s26;
	v51 =	vadd.s32 v7, v29;
	[tilespmem:s1+$0xFFFFFFA0] =	vst v26;
	v21 =	vld.idx.msk [tilespmem:v45+s3+$0x0], $0xffff  }
0x39: {  	v17 =	vadd.s32 v4, v29;
	v23 =	vand.u32 $0xFE, v50;
	[tilespmem:s1+$0xFFFFFFB0] =	vst v25;
	v19 =	vld.idx.msk [tilespmem:v46+s3+$0x0], $0xffff  }
0x3a: {  	[tilespmem:s1+$0xFFFFFFC0] =	vst v24;
	v52 =	vadd.s32 v0, v23;
	v18 =	vld.idx.msk [tilespmem:v47+s3+$0x0], $0xffff  }
0x3b: {  	[tilespmem:s1+$0xFFFFFFD0] =	vst v27;
	v53 =	vadd.s32 v1, v23;
	v22 =	vld.idx.msk [tilespmem:v49+s3+$0x0], $0xffff  }
0x3c: {  	[tilespmem:s1+$0xFFFFFFE0] =	vst v28;
	v54 =	vadd.s32 v2, v23;
	v56 =	vld.idx.msk [tilespmem:v30+s3+$0x0], $0xffff  }
0x3d: {  	s0 =	sadd.s32 $0x100, s1;
	v55 =	vadd.s32 v4, v23;
	v26 =	vld.idx.msk [tilespmem:v51+s3+$0x0], $0xffff;
	[tilespmem:s1+$0xFFFFFFF0] =	vst v16  }
0x3e: {  	v60 =	vadd.s32 v7, v23;
	v17 =	vld.idx.msk [tilespmem:v17+s3+$0x0], $0xffff;
	[tilespmem:s0+$0x70] =	vst v21  }
0x3f: {  	v58 =	vadd.s32 v6, v23;
	v57 =	vld.idx.msk [tilespmem:v52+s3+$0x0], $0xffff;
	[tilespmem:s0+$0x0] =	vst v48  }
0x40: {  	v16 =	vadd.s32 v5, v23;
	v59 =	vld.idx.msk [tilespmem:v53+s3+$0x0], $0xffff;
	[tilespmem:s0+$0x10] =	vst v19  }
0x41: {  	v23 =	vadd.s32 v8, v23;
	v61 =	vld.idx.msk [tilespmem:v54+s3+$0x0], $0xffff;
	[tilespmem:s0+$0x20] =	vst v18  }
0x42: {  	v62 =	vld.idx.msk [tilespmem:v55+s3+$0x0], $0xffff;
	[tilespmem:s0+$0x40] =	vst v22  }
0x43: {  	[tilespmem:s0+$0x50] =	vst v56;
	v63 =	vld.idx.msk [tilespmem:v60+s3+$0x0], $0xffff  }
0x44: {  	[tilespmem:s0+$0x30] =	vst v17;
	v17 =	vld.idx.msk [tilespmem:v58+s3+$0x0], $0xffff  }
0x45: {  	[tilespmem:s0+$0x60] =	vst v26;
	v16 =	vld.idx.msk [tilespmem:v16+s3+$0x0], $0xffff  }
0x46: {  	v23 =	vld.idx.msk [tilespmem:v23+s3+$0x0], $0xffff;
	[tilespmem:s0+$0xFFFFFF80] =	vst v57  }
0x47: {  	[tilespmem:s0+$0xFFFFFF90] =	vst v59  }
0x48: {  	[tilespmem:s0+$0xFFFFFFA0] =	vst v61  }
0x49: {  	[tilespmem:s0+$0xFFFFFFB0] =	vst v62  }
0x4a: {  	[tilespmem:s0+$0xFFFFFFE0] =	vst v63  }
0x4b: {  	[tilespmem:s0+$0xFFFFFFD0] =	vst v17  }
0x4c: {  	[tilespmem:s0+$0xFFFFFFC0] =	vst v16  }
0x4d: {  	s30 =	simm.s32 $0x6400;
	s31 =	simm.s32 $0xC800;
	[tilespmem:s0+$0xFFFFFFF0] =	vst v23  }
0x4e: {  	[tilespmem:s31], [sflag:$0x1] =	stream.indirect.gather [hbm4b:s4+s10], $0x40, s30, s10, $0xb8;
	[tilespmem:$0x1D000] =	vst v63  }
0x4f: {  	_ = 	snop  }
0x50: {  	[tilespmem:s14], [sflag:$0x1] =	stream.indirect.gather [hbm4b:s4+s10], $0x40, s13, s10, $0xb8;
	[tilespmem:$0x1D000] =	vst v63  }
0x51: {  	_ = 	snop  }
0x52: {  	[tilespmem:s16], [sflag:$0x2] =	stream.indirect.gather [hbm4b:s4+s10], $0x40, s15, s10, $0xb8;
	[tilespmem:$0x1D000] =	vst v63  }
0x53: {  	s26 =	simm.s32 $0x0  }
0x54: {  	[tilespmem:s18], [sflag:$0x2] =	stream.indirect.gather [hbm4b:s4+s10], $0x40, s17, s10, $0xb8;
	[tilespmem:$0x1D000] =	vst v63  }
.LBB2_4:
0x55: {  	p1 =	seq.s32 s26, $0x0  }
0x56: {  	s0 =	simm.s32 @!p1 $0x3  }
0x57: {  	_ =	swait.ge @!p1 [sflag:s0], $0x4000  }
0x58: {  	[sflag:s0] =	ssyncset.done @!p1 $0x0  }
0x59: {  	[sflag:s0] =	ssyncadd.s32 @!p1 $0xFFFFC000  }
0x5a: {  	_ =	swait.ge [sflag:s19], $0x2000  }
0x5b: {  	[sflag:s19] =	ssyncset.done $0x0  }
0x5c: {  	[sflag:s19] =	ssyncadd.s32 $0xFFFFE000  }
0x5d: {  	_ =	swait.ge [sflag:s19], $0x2000  }
0x5e: {  	[sflag:s19] =	ssyncset.done $0x0  }
0x5f: {  	s29 =	simm.s32 $0xE800;
	s12 =	simm.s32 $0x3;
	[sflag:s19] =	ssyncadd.s32 $0xFFFFE000  }
0x60: {  	v16 =	vmov s12;
	v23 =	vld [tilespmem:s29+$0xFFFFE0C0]  }
0x61: {  	v18 =	vand.u32 $0x7F, v16;
	v22 =	vld [tilespmem:s29+$0xFFFFE0D0]  }
0x62: {  	v28 =	vadd.s32 v3, v18;
	v21 =	vld [tilespmem:s29+$0xFFFFE0E0]  }
0x63: {  	v27 =	vadd.s32 v9, v18;
	v19 =	vld [tilespmem:s29+$0xFFFFE0F0]  }
0x64: {  	v26 =	vadd.s32 v10, v18;
	v16 =	vld [tilespmem:s29+$0xC0]  }
0x65: {  	v25 =	vadd.s32 v11, v18;
	v17 =	vld [tilespmem:s29+$0xD0]  }
0x66: {  	s28 =	sshll.u32 s26, $0xB;
	s31 =	simm.s32 $0x4;
	s30 =	simm.s32 $0x0;
	v24 =	vadd.s32 v12, v18;
	v20 =	vld [tilespmem:s29+$0xE0]  }
.LBB2_5:
0x67: {  	p0 =	slt.u32 s31, $0x7C;
	v29 =	vld [tilespmem:s29+$0xF0];
	[tilespmem:v28+s20+$0x0] =	vst.idx.msk $0xffff, v23;
	v23 =	vadd.s32 v13, v18  }
0x68: {  	v28 =	vmov s30;
	v30 =	vld [tilespmem:s29+$0xFFFFE000];
	[tilespmem:v27+s20+$0x0] =	vst.idx.msk $0xffff, v22;
	v22 =	vadd.s32 v14, v18  }
0x69: {  	v28 =	vand.u32 $0x7C, v28;
	v18 =	vadd.s32 v15, v18;
	v27 =	vld [tilespmem:s29+$0xFFFFE010];
	[tilespmem:v26+s20+$0x0] =	vst.idx.msk $0xffff, v21  }
0x6a: {  	v26 =	vadd.s32 v3, v28;
	v21 =	vld [tilespmem:s29+$0xFFFFE020];
	[tilespmem:v25+s20+$0x0] =	vst.idx.msk $0xffff, v19  }
0x6b: {  	v25 =	vadd.s32 v9, v28;
	v19 =	vld [tilespmem:s29+$0xFFFFE030];
	[tilespmem:v24+s20+$0x0] =	vst.idx.msk $0xffff, v16  }
0x6c: {  	v24 =	vadd.s32 v10, v28;
	v16 =	vld [tilespmem:s29+$0x0];
	[tilespmem:v23+s20+$0x0] =	vst.idx.msk $0xffff, v17  }
0x6d: {  	v23 =	vadd.s32 v11, v28;
	v17 =	vld [tilespmem:s29+$0x10];
	[tilespmem:v22+s20+$0x0] =	vst.idx.msk $0xffff, v20  }
0x6e: {  	v22 =	vadd.s32 v12, v28;
	v20 =	vld [tilespmem:s29+$0x20];
	[tilespmem:v18+s20+$0x0] =	vst.idx.msk $0xffff, v29  }
0x6f: {  	s0 =	sadd.s32 $0x1, s30;
	v18 =	vld [tilespmem:s29+$0x30];
	[tilespmem:v26+s20+$0x0] =	vst.idx.msk $0xffff, v30;
	v26 =	vadd.s32 v13, v28  }
0x70: {  	[tilespmem:v25+s20+$0x0] =	vst.idx.msk $0xffff, v27;
	v25 =	vadd.s32 v14, v28;
	v27 =	vmov s0;
	v29 =	vld [tilespmem:s29+$0xFFFFE040]  }
0x71: {  	[tilespmem:v24+s20+$0x0] =	vst.idx.msk $0xffff, v21;
	v21 =	vadd.s32 v15, v28;
	v24 =	vld [tilespmem:s29+$0xFFFFE050];
	v27 =	vand.u32 $0x7D, v27  }
0x72: {  	[tilespmem:v23+s20+$0x0] =	vst.idx.msk $0xffff, v19;
	v19 =	vld [tilespmem:s29+$0xFFFFE060];
	v23 =	vadd.s32 v3, v27  }
0x73: {  	[tilespmem:v22+s20+$0x0] =	vst.idx.msk $0xffff, v16;
	v16 =	vld [tilespmem:s29+$0xFFFFE070];
	v22 =	vadd.s32 v9, v27  }
0x74: {  	[tilespmem:v26+s20+$0x0] =	vst.idx.msk $0xffff, v17;
	v17 =	vld [tilespmem:s29+$0x40];
	v26 =	vadd.s32 v10, v27  }
0x75: {  	[tilespmem:v25+s20+$0x0] =	vst.idx.msk $0xffff, v20;
	v20 =	vld [tilespmem:s29+$0x50];
	v25 =	vadd.s32 v11, v27  }
0x76: {  	[tilespmem:v21+s20+$0x0] =	vst.idx.msk $0xffff, v18;
	v18 =	vld [tilespmem:s29+$0x60];
	v21 =	vadd.s32 v12, v27  }
0x77: {  	s0 =	sadd.s32 $0x2, s30;
	s30 =	smov.u32 s31;
	v28 =	vld [tilespmem:s29+$0x70];
	[tilespmem:v23+s20+$0x0] =	vst.idx.msk $0xffff, v29;
	v23 =	vadd.s32 v13, v27  }
0x78: {  	[tilespmem:v22+s20+$0x0] =	vst.idx.msk $0xffff, v24;
	v22 =	vadd.s32 v14, v27;
	v24 =	vmov s0;
	v29 =	vld [tilespmem:s29+$0xFFFFE080]  }
0x79: {  	[tilespmem:v26+s20+$0x0] =	vst.idx.msk $0xffff, v19;
	v19 =	vadd.s32 v15, v27;
	v26 =	vld [tilespmem:s29+$0xFFFFE090];
	v24 =	vand.u32 $0x7E, v24  }
0x7a: {  	[tilespmem:v25+s20+$0x0] =	vst.idx.msk $0xffff, v16;
	v16 =	vld [tilespmem:s29+$0xFFFFE0A0];
	v25 =	vadd.s32 v3, v24  }
0x7b: {  	[tilespmem:v21+s20+$0x0] =	vst.idx.msk $0xffff, v17;
	v17 =	vld [tilespmem:s29+$0xFFFFE0B0];
	v21 =	vadd.s32 v9, v24  }
0x7c: {  	v27 =	vadd.s32 v10, v24;
	[tilespmem:v23+s20+$0x0] =	vst.idx.msk $0xffff, v20;
	v20 =	vld [tilespmem:s29+$0x80]  }
0x7d: {  	v31 =	vadd.s32 v11, v24;
	[tilespmem:v22+s20+$0x0] =	vst.idx.msk $0xffff, v18;
	v30 =	vld [tilespmem:s29+$0x90]  }
0x7e: {  	v33 =	vadd.s32 v12, v24;
	[tilespmem:v19+s20+$0x0] =	vst.idx.msk $0xffff, v28;
	v32 =	vld [tilespmem:s29+$0xA0]  }
0x7f: {  	s0 =	sadd.s32 $0x3, s31;
	v34 =	vld [tilespmem:s29+$0xB0];
	[tilespmem:v25+s20+$0x0] =	vst.idx.msk $0xffff, v29;
	v25 =	vadd.s32 v13, v24;
	s29 =	sadd.s32 $0x100, s29  }
0x80: {  	v18 =	vmov s0;
	v29 =	vadd.s32 v14, v24;
	v23 =	vld [tilespmem:s29+$0xFFFFE0C0];
	[tilespmem:v21+s20+$0x0] =	vst.idx.msk $0xffff, v26  }
0x81: {  	v35 =	vadd.s32 v15, v24;
	v18 =	vand.u32 $0x7F, v18;
	v22 =	vld [tilespmem:s29+$0xFFFFE0D0];
	[tilespmem:v27+s20+$0x0] =	vst.idx.msk $0xffff, v16  }
.Ltmp1:
0x82: {  	v28 =	vadd.s32 v3, v18;
	v21 =	vld [tilespmem:s29+$0xFFFFE0E0];
	[tilespmem:v31+s20+$0x0] =	vst.idx.msk $0xffff, v17;
	(pc) =	sbr.rel @p0 .LBB2_5-.Ltmp1, $4  }
0x83: {  	v27 =	vadd.s32 v9, v18;
	v19 =	vld [tilespmem:s29+$0xFFFFE0F0];
	[tilespmem:v33+s20+$0x0] =	vst.idx.msk $0xffff, v20  }
0x84: {  	v26 =	vadd.s32 v10, v18;
	v16 =	vld [tilespmem:s29+$0xC0];
	[tilespmem:v25+s20+$0x0] =	vst.idx.msk $0xffff, v30  }
0x85: {  	v25 =	vadd.s32 v11, v18;
	v17 =	vld [tilespmem:s29+$0xD0];
	[tilespmem:v29+s20+$0x0] =	vst.idx.msk $0xffff, v32  }
0x86: {  	s31 =	sadd.s32 $0x4, s31;
	v24 =	vadd.s32 v12, v18;
	v20 =	vld [tilespmem:s29+$0xE0];
	[tilespmem:v35+s20+$0x0] =	vst.idx.msk $0xffff, v34  }
0x87: {  	v29 =	vld [tilespmem:s29+$0xF0]  }
0x88: {  	v50 =	vld [tilespmem:s29+$0xFFFFE000]  }
0x89: {  	v52 =	vld [tilespmem:s29+$0xFFFFE010]  }
0x8a: {  	v54 =	vld [tilespmem:s29+$0xFFFFE020]  }
0x8b: {  	v56 =	vld [tilespmem:s29+$0xFFFFE030]  }
0x8c: {  	v60 =	vld [tilespmem:s29+$0x20]  }
0x8d: {  	v62 =	vld [tilespmem:s29+$0x30]  }
0x8e: {  	v32 =	vld [tilespmem:s29+$0xFFFFE040]  }
0x8f: {  	[tilespmem:v28+s20+$0x0] =	vst.idx.msk $0xffff, v23;
	v49 =	vadd.s32 v13, v18;
	v35 =	vld [tilespmem:s29+$0xFFFFE050]  }
0x90: {  	v30 =	vmov s30;
	v51 =	vadd.s32 v14, v18;
	v38 =	vld [tilespmem:s29+$0xFFFFE060];
	[tilespmem:v27+s20+$0x0] =	vst.idx.msk $0xffff, v22  }
0x91: {  	v53 =	vadd.s32 v15, v18;
	v40 =	vld [tilespmem:s29+$0xFFFFE070];
	v30 =	vand.u32 $0x7C, v30;
	[tilespmem:v26+s20+$0x0] =	vst.idx.msk $0xffff, v21  }
0x92: {  	v41 =	vld [tilespmem:s29+$0x40];
	v55 =	vadd.s32 v3, v30;
	[tilespmem:v25+s20+$0x0] =	vst.idx.msk $0xffff, v19  }
0x93: {  	v42 =	vld [tilespmem:s29+$0x50];
	v57 =	vadd.s32 v9, v30;
	[tilespmem:v24+s20+$0x0] =	vst.idx.msk $0xffff, v16  }
0x94: {  	v44 =	vld [tilespmem:s29+$0x60];
	v58 =	vadd.s32 v10, v30;
	[tilespmem:v49+s20+$0x0] =	vst.idx.msk $0xffff, v17  }
0x95: {  	s0 =	sadd.s32 $0x1, s30;
	v46 =	vld [tilespmem:s29+$0x70];
	v59 =	vadd.s32 v11, v30;
	[tilespmem:v51+s20+$0x0] =	vst.idx.msk $0xffff, v20  }
0x96: {  	v34 =	vmov s0;
	v61 =	vadd.s32 v12, v30;
	v16 =	vld [tilespmem:s29+$0x0];
	[tilespmem:v53+s20+$0x0] =	vst.idx.msk $0xffff, v29  }
0x97: {  	s11 =	sadd.s32 $0x2, s30;
	v63 =	vadd.s32 v13, v30;
	v37 =	vand.u32 $0x7D, v34;
	v17 =	vld [tilespmem:s29+$0x10];
	[tilespmem:v55+s20+$0x0] =	vst.idx.msk $0xffff, v50  }
0x98: {  	v48 =	vld [tilespmem:s29+$0xFFFFE080];
	v39 =	vadd.s32 v3, v37;
	v49 =	vmov s11;
	[tilespmem:v57+s20+$0x0] =	vst.idx.msk $0xffff, v52  }
0x99: {  	v33 =	vadd.s32 v14, v30;
	v51 =	vand.u32 $0x7E, v49;
	v50 =	vld [tilespmem:s29+$0xFFFFE090];
	[tilespmem:v58+s20+$0x0] =	vst.idx.msk $0xffff, v54  }
0x9a: {  	v53 =	vadd.s32 v3, v51;
	v52 =	vld [tilespmem:s29+$0xFFFFE0A0];
	[tilespmem:v59+s20+$0x0] =	vst.idx.msk $0xffff, v56  }
0x9b: {  	v54 =	vld [tilespmem:s29+$0xFFFFE0B0];
	[tilespmem:v61+s20+$0x0] =	vst.idx.msk $0xffff, v16;
	v16 =	vadd.s32 v9, v37  }
0x9c: {  	v58 =	vld [tilespmem:s29+$0x90];
	[tilespmem:v63+s20+$0x0] =	vst.idx.msk $0xffff, v17;
	v17 =	vadd.s32 v10, v37  }
0x9d: {  	v43 =	vadd.s32 v11, v37;
	[tilespmem:v39+s20+$0x0] =	vst.idx.msk $0xffff, v32;
	v56 =	vld [tilespmem:s29+$0x80]  }
0x9e: {  	v45 =	vadd.s32 v12, v37;
	v59 =	vld [tilespmem:s29+$0xA0];
	[tilespmem:v33+s20+$0x0] =	vst.idx.msk $0xffff, v60  }
0x9f: {  	v47 =	vadd.s32 v13, v37;
	v60 =	vld [tilespmem:s29+$0xB0];
	[tilespmem:v53+s20+$0x0] =	vst.idx.msk $0xffff, v48  }
0xa0: {  	[tilespmem:v16+s20+$0x0] =	vst.idx.msk $0xffff, v35;
	v16 =	vadd.s32 v14, v37  }
0xa1: {  	[tilespmem:v17+s20+$0x0] =	vst.idx.msk $0xffff, v38;
	v17 =	vadd.s32 v15, v37  }
0xa2: {  	v36 =	vadd.s32 v15, v30;
	[tilespmem:v43+s20+$0x0] =	vst.idx.msk $0xffff, v40  }
0xa3: {  	v55 =	vadd.s32 v9, v51;
	[tilespmem:v45+s20+$0x0] =	vst.idx.msk $0xffff, v41  }
0xa4: {  	v57 =	vadd.s32 v10, v51;
	[tilespmem:v47+s20+$0x0] =	vst.idx.msk $0xffff, v42  }
0xa5: {  	[tilespmem:v16+s20+$0x0] =	vst.idx.msk $0xffff, v44;
	v16 =	vadd.s32 v11, v51  }
0xa6: {  	[tilespmem:v17+s20+$0x0] =	vst.idx.msk $0xffff, v46;
	v17 =	vadd.s32 v12, v51  }
0xa7: {  	v61 =	vadd.s32 v13, v51;
	[tilespmem:v36+s20+$0x0] =	vst.idx.msk $0xffff, v62  }
0xa8: {  	[tilespmem:v55+s20+$0x0] =	vst.idx.msk $0xffff, v50;
	v62 =	vadd.s32 v14, v51  }
0xa9: {  	v63 =	vadd.s32 v15, v51;
	[tilespmem:v57+s20+$0x0] =	vst.idx.msk $0xffff, v52  }
0xaa: {  	[tilespmem:v16+s20+$0x0] =	vst.idx.msk $0xffff, v54  }
0xab: {  	[tilespmem:v17+s20+$0x0] =	vst.idx.msk $0xffff, v56  }
0xac: {  	p0 =	seq.s32 s26, $0x31;
	[tilespmem:v61+s20+$0x0] =	vst.idx.msk $0xffff, v58  }
0xad: {  	s12 =	sshll.u32 s26, $0x11;
	s28 =	sshrl.u32 @!p0 s28, $0x2;
	[tilespmem:v62+s20+$0x0] =	vst.idx.msk $0xffff, v59  }
0xae: {  	s1 =	simm.s32 @!p0 $0x80;
	s0 =	sadd.s32 @!p0 $0x6600, s28;
	s11 =	simm.s32 @!p0 $0xC800;
	[tilespmem:v63+s20+$0x0] =	vst.idx.msk $0xffff, v60  }
0xaf: {  	[tilespmem:s11], [sflag:$0x1] =	stream.indirect.gather @!p0 [hbm4b:s4+s1], $0x40, s0, s1, $0xb8;
	[tilespmem:$0x1D000] =	vst v63  }
0xb0: {  	s29 =	sor.u32 s6, s12;
	s0 =	sadd.s32 @!p0 $0x6680, s28;
	s11 =	simm.s32 @!p0 $0xE800  }
0xb1: {  	[tilespmem:s11], [sflag:$0x1] =	stream.indirect.gather @!p0 [hbm4b:s4+s1], $0x40, s0, s1, $0xb8;
	[tilespmem:$0x1D000] =	vst v63  }
0xb2: {  	s30 =	sadd.s32 s2, s29;
	s1 =	simm.s32 $0x14800  }
0xb3: {  	[hbm4b:s30+s3] =	stream.linear.scatter [tilespmem:s1], [sflag:$0x3], $0x80, $0x38;
	[tilespmem:$0x1D000] =	vst v63  }
0xb4: {  	s12 =	sadd.s32 $0x10, s30;
	s11 =	simm.s32 $0x14888  }
0xb5: {  	[hbm4b:s12+s3] =	stream.linear.scatter [tilespmem:s11], [sflag:$0x3], $0x80, $0x38;
	[tilespmem:$0x1D000] =	vst v63  }
0xb6: {  	s11 =	simm.s32 $0x14910;
	s12 =	sadd.s32 $0x20, s30  }
0xb7: {  	[hbm4b:s12+s3] =	stream.linear.scatter [tilespmem:s11], [sflag:$0x3], $0x80, $0x38;
	[tilespmem:$0x1D000] =	vst v63  }
0xb8: {  	s11 =	simm.s32 $0x14998;
	s12 =	sadd.s32 $0x30, s30  }
0xb9: {  	[hbm4b:s12+s3] =	stream.linear.scatter [tilespmem:s11], [sflag:$0x3], $0x80, $0x38;
	[tilespmem:$0x1D000] =	vst v63  }
0xba: {  	s11 =	simm.s32 $0x14A20;
	s12 =	sadd.s32 $0x40, s30  }
0xbb: {  	[hbm4b:s12+s3] =	stream.linear.scatter [tilespmem:s11], [sflag:$0x3], $0x80, $0x38;
	[tilespmem:$0x1D000] =	vst v63  }
0xbc: {  	s31 =	simm.s32 $0x2200;
	s11 =	simm.s32 $0x14AA8;
	s12 =	sadd.s32 $0x50, s30  }
0xbd: {  	[hbm4b:s12+s3] =	stream.linear.scatter [tilespmem:s11], [sflag:$0x3], $0x80, $0x38;
	[tilespmem:$0x1D000] =	vst v63  }
0xbe: {  	s0 =	simm.s32 $0x14BB8;
	s11 =	simm.s32 $0x14B30;
	s12 =	sadd.s32 $0x60, s30  }
0xbf: {  	[hbm4b:s12+s3] =	stream.linear.scatter [tilespmem:s11], [sflag:$0x3], $0x80, $0x38;
	[tilespmem:$0x1D000] =	vst v63  }
0xc0: {  	s1 =	simm.s32 $0x440;
	s11 =	sadd.s32 $0x70, s30;
	s30 =	sadd.s32 $0x1000, s30  }
.LBB2_7:
0xc1: {  	[hbm4b:s11+s3] =	stream.linear.scatter [tilespmem:s0], [sflag:$0x3], $0x80, $0x38;
	[tilespmem:$0x1D000] =	vst v63  }
0xc2: {  	s0 =	smov.u32 s1;
	s1 =	smov.u32 s31  }
0xc3: {  	s12 =	sadd.s32 $0x1100, s31;
	s1 =	sshra.s32 s1, $0x2;
	s11 =	sadd.s32 $0x14800, s0  }
0xc4: {  	[hbm4b:s30+s3] =	stream.linear.scatter [tilespmem:s11], [sflag:$0x3], $0x80, $0x38;
	[tilespmem:$0x1D000] =	vst v63  }
0xc5: {  	p2 =	sne.s32 s31, $0xFF00;
	s31 =	sadd.s32 $0x10, s30;
	s11 =	sadd.s32 $0x14888, s0  }
0xc6: {  	[hbm4b:s31+s3] =	stream.linear.scatter [tilespmem:s11], [sflag:$0x3], $0x80, $0x38;
	[tilespmem:$0x1D000] =	vst v63  }
0xc7: {  	s11 =	sadd.s32 $0x14910, s0;
	s31 =	sadd.s32 $0x20, s30  }
0xc8: {  	[hbm4b:s31+s3] =	stream.linear.scatter [tilespmem:s11], [sflag:$0x3], $0x80, $0x38;
	[tilespmem:$0x1D000] =	vst v63  }
0xc9: {  	s11 =	sadd.s32 $0x14998, s0;
	s31 =	sadd.s32 $0x30, s30  }
0xca: {  	[hbm4b:s31+s3] =	stream.linear.scatter [tilespmem:s11], [sflag:$0x3], $0x80, $0x38;
	[tilespmem:$0x1D000] =	vst v63  }
0xcb: {  	s11 =	sadd.s32 $0x14A20, s0;
	s31 =	sadd.s32 $0x40, s30  }
0xcc: {  	[hbm4b:s31+s3] =	stream.linear.scatter [tilespmem:s11], [sflag:$0x3], $0x80, $0x38;
	[tilespmem:$0x1D000] =	vst v63  }
.Ltmp2:
0xcd: {  	s11 =	sadd.s32 $0x14AA8, s0;
	s31 =	sadd.s32 $0x50, s30;
	(pc) =	sbr.rel @p2 .LBB2_7-.Ltmp2, $4  }
0xce: {  	[hbm4b:s31+s3] =	stream.linear.scatter [tilespmem:s11], [sflag:$0x3], $0x80, $0x38;
	[tilespmem:$0x1D000] =	vst v63  }
0xcf: {  	s11 =	sadd.s32 $0x14B30, s0;
	s31 =	sadd.s32 $0x60, s30;
	s0 =	sadd.s32 $0x14BB8, s0  }
0xd0: {  	[hbm4b:s31+s3] =	stream.linear.scatter [tilespmem:s11], [sflag:$0x3], $0x80, $0x38;
	[tilespmem:$0x1D000] =	vst v63  }
0xd1: {  	s11 =	sadd.s32 $0x70, s30;
	s30 =	sadd.s32 $0x1000, s30;
	s31 =	smov.u32 s12  }
0xd2: {  	[hbm4b:s11+s3] =	stream.linear.scatter [tilespmem:s0], [sflag:$0x3], $0x80, $0x38;
	[tilespmem:$0x1D000] =	vst v63  }
0xd3: {  	s12 =	sadd.s32 $0x14800, s1  }
0xd4: {  	[hbm4b:s30+s3] =	stream.linear.scatter [tilespmem:s12], [sflag:$0x3], $0x80, $0x38;
	[tilespmem:$0x1D000] =	vst v63  }
0xd5: {  	s11 =	sadd.s32 $0x14888, s1;
	s12 =	sadd.s32 $0x10, s30  }
0xd6: {  	[hbm4b:s12+s3] =	stream.linear.scatter [tilespmem:s11], [sflag:$0x3], $0x80, $0x38;
	[tilespmem:$0x1D000] =	vst v63  }
0xd7: {  	s11 =	sadd.s32 $0x14910, s1;
	s12 =	sadd.s32 $0x20, s30  }
0xd8: {  	[hbm4b:s12+s3] =	stream.linear.scatter [tilespmem:s11], [sflag:$0x3], $0x80, $0x38;
	[tilespmem:$0x1D000] =	vst v63  }
0xd9: {  	s11 =	sadd.s32 $0x14998, s1;
	s12 =	sadd.s32 $0x30, s30  }
0xda: {  	[hbm4b:s12+s3] =	stream.linear.scatter [tilespmem:s11], [sflag:$0x3], $0x80, $0x38;
	[tilespmem:$0x1D000] =	vst v63  }
0xdb: {  	s11 =	sadd.s32 $0x14A20, s1;
	s12 =	sadd.s32 $0x40, s30  }
0xdc: {  	[hbm4b:s12+s3] =	stream.linear.scatter [tilespmem:s11], [sflag:$0x3], $0x80, $0x38;
	[tilespmem:$0x1D000] =	vst v63  }
0xdd: {  	s11 =	sadd.s32 $0x14AA8, s1;
	s12 =	sadd.s32 $0x50, s30  }
0xde: {  	[hbm4b:s12+s3] =	stream.linear.scatter [tilespmem:s11], [sflag:$0x3], $0x80, $0x38;
	[tilespmem:$0x1D000] =	vst v63  }
0xdf: {  	s11 =	sadd.s32 $0x14B30, s1;
	s12 =	sadd.s32 $0x60, s30  }
0xe0: {  	[hbm4b:s12+s3] =	stream.linear.scatter [tilespmem:s11], [sflag:$0x3], $0x80, $0x38;
	[tilespmem:$0x1D000] =	vst v63  }
0xe1: {  	s0 =	simm.s32 @!p1 $0x4;
	s1 =	sadd.s32 $0x14BB8, s1;
	s11 =	sadd.s32 $0x70, s30  }
0xe2: {  	[hbm4b:s11+s3] =	stream.linear.scatter [tilespmem:s1], [sflag:$0x3], $0x80, $0x38;
	[tilespmem:$0x1D000] =	vst v63  }
0xe3: {  	_ =	swait.ge @!p1 [sflag:s0], $0x4000  }
0xe4: {  	[sflag:s0] =	ssyncset.done @!p1 $0x0  }
0xe5: {  	[sflag:s0] =	ssyncadd.s32 @!p1 $0xFFFFC000  }
0xe6: {  	_ =	swait.ge [sflag:s21], $0x2000  }
0xe7: {  	[sflag:s21] =	ssyncset.done $0x0  }
0xe8: {  	[sflag:s21] =	ssyncadd.s32 $0xFFFFE000  }
0xe9: {  	_ =	swait.ge [sflag:s21], $0x2000  }
0xea: {  	[sflag:s21] =	ssyncset.done $0x0  }
0xeb: {  	s30 =	simm.s32 $0x12800;
	s12 =	simm.s32 $0x3;
	[sflag:s21] =	ssyncadd.s32 $0xFFFFE000  }
0xec: {  	v16 =	vmov s12;
	v23 =	vld [tilespmem:s30+$0xFFFFE0C0]  }
0xed: {  	v18 =	vand.u32 $0x7F, v16;
	v22 =	vld [tilespmem:s30+$0xFFFFE0D0]  }
0xee: {  	v28 =	vadd.s32 v3, v18;
	v21 =	vld [tilespmem:s30+$0xFFFFE0E0]  }
0xef: {  	v27 =	vadd.s32 v9, v18;
	v19 =	vld [tilespmem:s30+$0xFFFFE0F0]  }
0xf0: {  	v26 =	vadd.s32 v10, v18;
	v16 =	vld [tilespmem:s30+$0xC0]  }
0xf1: {  	v25 =	vadd.s32 v11, v18;
	v17 =	vld [tilespmem:s30+$0xD0]  }
0xf2: {  	s31 =	simm.s32 $0x0;
	s1 =	simm.s32 $0x4;
	v24 =	vadd.s32 v12, v18;
	v20 =	vld [tilespmem:s30+$0xE0]  }
.LBB2_9:
0xf3: {  	p1 =	slt.u32 s1, $0x7C;
	v29 =	vld [tilespmem:s30+$0xF0];
	[tilespmem:v28+s22+$0x0] =	vst.idx.msk $0xffff, v23;
	v23 =	vadd.s32 v13, v18  }
0xf4: {  	v28 =	vmov s31;
	v30 =	vld [tilespmem:s30+$0xFFFFE000];
	[tilespmem:v27+s22+$0x0] =	vst.idx.msk $0xffff, v22;
	v22 =	vadd.s32 v14, v18  }
0xf5: {  	v28 =	vand.u32 $0x7C, v28;
	v18 =	vadd.s32 v15, v18;
	v27 =	vld [tilespmem:s30+$0xFFFFE010];
	[tilespmem:v26+s22+$0x0] =	vst.idx.msk $0xffff, v21  }
0xf6: {  	v26 =	vadd.s32 v3, v28;
	v21 =	vld [tilespmem:s30+$0xFFFFE020];
	[tilespmem:v25+s22+$0x0] =	vst.idx.msk $0xffff, v19  }
0xf7: {  	v25 =	vadd.s32 v9, v28;
	v19 =	vld [tilespmem:s30+$0xFFFFE030];
	[tilespmem:v24+s22+$0x0] =	vst.idx.msk $0xffff, v16  }
0xf8: {  	v24 =	vadd.s32 v10, v28;
	v16 =	vld [tilespmem:s30+$0x0];
	[tilespmem:v23+s22+$0x0] =	vst.idx.msk $0xffff, v17  }
0xf9: {  	v23 =	vadd.s32 v11, v28;
	v17 =	vld [tilespmem:s30+$0x10];
	[tilespmem:v22+s22+$0x0] =	vst.idx.msk $0xffff, v20  }
0xfa: {  	v22 =	vadd.s32 v12, v28;
	v20 =	vld [tilespmem:s30+$0x20];
	[tilespmem:v18+s22+$0x0] =	vst.idx.msk $0xffff, v29  }
0xfb: {  	s0 =	sadd.s32 $0x1, s31;
	v18 =	vld [tilespmem:s30+$0x30];
	[tilespmem:v26+s22+$0x0] =	vst.idx.msk $0xffff, v30;
	v26 =	vadd.s32 v13, v28  }
0xfc: {  	[tilespmem:v25+s22+$0x0] =	vst.idx.msk $0xffff, v27;
	v25 =	vadd.s32 v14, v28;
	v27 =	vmov s0;
	v29 =	vld [tilespmem:s30+$0xFFFFE040]  }
0xfd: {  	[tilespmem:v24+s22+$0x0] =	vst.idx.msk $0xffff, v21;
	v21 =	vadd.s32 v15, v28;
	v24 =	vld [tilespmem:s30+$0xFFFFE050];
	v27 =	vand.u32 $0x7D, v27  }
0xfe: {  	[tilespmem:v23+s22+$0x0] =	vst.idx.msk $0xffff, v19;
	v19 =	vld [tilespmem:s30+$0xFFFFE060];
	v23 =	vadd.s32 v3, v27  }
0xff: {  	[tilespmem:v22+s22+$0x0] =	vst.idx.msk $0xffff, v16;
	v16 =	vld [tilespmem:s30+$0xFFFFE070];
	v22 =	vadd.s32 v9, v27  }
0x100: {  	[tilespmem:v26+s22+$0x0] =	vst.idx.msk $0xffff, v17;
	v17 =	vld [tilespmem:s30+$0x40];
	v26 =	vadd.s32 v10, v27  }
0x101: {  	[tilespmem:v25+s22+$0x0] =	vst.idx.msk $0xffff, v20;
	v20 =	vld [tilespmem:s30+$0x50];
	v25 =	vadd.s32 v11, v27  }
0x102: {  	[tilespmem:v21+s22+$0x0] =	vst.idx.msk $0xffff, v18;
	v18 =	vld [tilespmem:s30+$0x60];
	v21 =	vadd.s32 v12, v27  }
0x103: {  	s0 =	sadd.s32 $0x2, s31;
	s31 =	smov.u32 s1;
	v28 =	vld [tilespmem:s30+$0x70];
	[tilespmem:v23+s22+$0x0] =	vst.idx.msk $0xffff, v29;
	v23 =	vadd.s32 v13, v27  }
0x104: {  	[tilespmem:v22+s22+$0x0] =	vst.idx.msk $0xffff, v24;
	v22 =	vadd.s32 v14, v27;
	v24 =	vmov s0;
	v29 =	vld [tilespmem:s30+$0xFFFFE080]  }
0x105: {  	[tilespmem:v26+s22+$0x0] =	vst.idx.msk $0xffff, v19;
	v19 =	vadd.s32 v15, v27;
	v26 =	vld [tilespmem:s30+$0xFFFFE090];
	v24 =	vand.u32 $0x7E, v24  }
0x106: {  	[tilespmem:v25+s22+$0x0] =	vst.idx.msk $0xffff, v16;
	v16 =	vld [tilespmem:s30+$0xFFFFE0A0];
	v25 =	vadd.s32 v3, v24  }
0x107: {  	[tilespmem:v21+s22+$0x0] =	vst.idx.msk $0xffff, v17;
	v17 =	vld [tilespmem:s30+$0xFFFFE0B0];
	v21 =	vadd.s32 v9, v24  }
0x108: {  	v27 =	vadd.s32 v10, v24;
	[tilespmem:v23+s22+$0x0] =	vst.idx.msk $0xffff, v20;
	v20 =	vld [tilespmem:s30+$0x80]  }
0x109: {  	v31 =	vadd.s32 v11, v24;
	[tilespmem:v22+s22+$0x0] =	vst.idx.msk $0xffff, v18;
	v30 =	vld [tilespmem:s30+$0x90]  }
0x10a: {  	v33 =	vadd.s32 v12, v24;
	[tilespmem:v19+s22+$0x0] =	vst.idx.msk $0xffff, v28;
	v32 =	vld [tilespmem:s30+$0xA0]  }
0x10b: {  	s0 =	sadd.s32 $0x3, s1;
	v34 =	vld [tilespmem:s30+$0xB0];
	[tilespmem:v25+s22+$0x0] =	vst.idx.msk $0xffff, v29;
	v25 =	vadd.s32 v13, v24;
	s30 =	sadd.s32 $0x100, s30  }
0x10c: {  	v18 =	vmov s0;
	v29 =	vadd.s32 v14, v24;
	v23 =	vld [tilespmem:s30+$0xFFFFE0C0];
	[tilespmem:v21+s22+$0x0] =	vst.idx.msk $0xffff, v26  }
0x10d: {  	v35 =	vadd.s32 v15, v24;
	v18 =	vand.u32 $0x7F, v18;
	v22 =	vld [tilespmem:s30+$0xFFFFE0D0];
	[tilespmem:v27+s22+$0x0] =	vst.idx.msk $0xffff, v16  }
.Ltmp3:
0x10e: {  	v28 =	vadd.s32 v3, v18;
	v21 =	vld [tilespmem:s30+$0xFFFFE0E0];
	[tilespmem:v31+s22+$0x0] =	vst.idx.msk $0xffff, v17;
	(pc) =	sbr.rel @p1 .LBB2_9-.Ltmp3, $4  }
0x10f: {  	v27 =	vadd.s32 v9, v18;
	v19 =	vld [tilespmem:s30+$0xFFFFE0F0];
	[tilespmem:v33+s22+$0x0] =	vst.idx.msk $0xffff, v20  }
0x110: {  	v26 =	vadd.s32 v10, v18;
	v16 =	vld [tilespmem:s30+$0xC0];
	[tilespmem:v25+s22+$0x0] =	vst.idx.msk $0xffff, v30  }
0x111: {  	v25 =	vadd.s32 v11, v18;
	v17 =	vld [tilespmem:s30+$0xD0];
	[tilespmem:v29+s22+$0x0] =	vst.idx.msk $0xffff, v32  }
0x112: {  	s1 =	sadd.s32 $0x4, s1;
	v24 =	vadd.s32 v12, v18;
	v20 =	vld [tilespmem:s30+$0xE0];
	[tilespmem:v35+s22+$0x0] =	vst.idx.msk $0xffff, v34  }
0x113: {  	v29 =	vld [tilespmem:s30+$0xF0]  }
0x114: {  	v50 =	vld [tilespmem:s30+$0xFFFFE000]  }
0x115: {  	v52 =	vld [tilespmem:s30+$0xFFFFE010]  }
0x116: {  	v54 =	vld [tilespmem:s30+$0xFFFFE020]  }
0x117: {  	v56 =	vld [tilespmem:s30+$0xFFFFE030]  }
0x118: {  	v60 =	vld [tilespmem:s30+$0x20]  }
0x119: {  	v62 =	vld [tilespmem:s30+$0x30]  }
0x11a: {  	v32 =	vld [tilespmem:s30+$0xFFFFE040]  }
0x11b: {  	[tilespmem:v28+s22+$0x0] =	vst.idx.msk $0xffff, v23;
	v49 =	vadd.s32 v13, v18;
	v35 =	vld [tilespmem:s30+$0xFFFFE050]  }
0x11c: {  	v30 =	vmov s31;
	v51 =	vadd.s32 v14, v18;
	v38 =	vld [tilespmem:s30+$0xFFFFE060];
	[tilespmem:v27+s22+$0x0] =	vst.idx.msk $0xffff, v22  }
0x11d: {  	v53 =	vadd.s32 v15, v18;
	v40 =	vld [tilespmem:s30+$0xFFFFE070];
	v30 =	vand.u32 $0x7C, v30;
	[tilespmem:v26+s22+$0x0] =	vst.idx.msk $0xffff, v21  }
0x11e: {  	v41 =	vld [tilespmem:s30+$0x40];
	v55 =	vadd.s32 v3, v30;
	[tilespmem:v25+s22+$0x0] =	vst.idx.msk $0xffff, v19  }
0x11f: {  	v42 =	vld [tilespmem:s30+$0x50];
	v57 =	vadd.s32 v9, v30;
	[tilespmem:v24+s22+$0x0] =	vst.idx.msk $0xffff, v16  }
0x120: {  	v44 =	vld [tilespmem:s30+$0x60];
	v58 =	vadd.s32 v10, v30;
	[tilespmem:v49+s22+$0x0] =	vst.idx.msk $0xffff, v17  }
0x121: {  	s0 =	sadd.s32 $0x1, s31;
	v46 =	vld [tilespmem:s30+$0x70];
	v59 =	vadd.s32 v11, v30;
	[tilespmem:v51+s22+$0x0] =	vst.idx.msk $0xffff, v20  }
0x122: {  	v34 =	vmov s0;
	v61 =	vadd.s32 v12, v30;
	v16 =	vld [tilespmem:s30+$0x0];
	[tilespmem:v53+s22+$0x0] =	vst.idx.msk $0xffff, v29  }
0x123: {  	s12 =	sadd.s32 $0x2, s31;
	v63 =	vadd.s32 v13, v30;
	v37 =	vand.u32 $0x7D, v34;
	v17 =	vld [tilespmem:s30+$0x10];
	[tilespmem:v55+s22+$0x0] =	vst.idx.msk $0xffff, v50  }
0x124: {  	v48 =	vld [tilespmem:s30+$0xFFFFE080];
	v39 =	vadd.s32 v3, v37;
	v49 =	vmov s12;
	[tilespmem:v57+s22+$0x0] =	vst.idx.msk $0xffff, v52  }
0x125: {  	v33 =	vadd.s32 v14, v30;
	v51 =	vand.u32 $0x7E, v49;
	v50 =	vld [tilespmem:s30+$0xFFFFE090];
	[tilespmem:v58+s22+$0x0] =	vst.idx.msk $0xffff, v54  }
0x126: {  	v53 =	vadd.s32 v3, v51;
	v52 =	vld [tilespmem:s30+$0xFFFFE0A0];
	[tilespmem:v59+s22+$0x0] =	vst.idx.msk $0xffff, v56  }
0x127: {  	v54 =	vld [tilespmem:s30+$0xFFFFE0B0];
	[tilespmem:v61+s22+$0x0] =	vst.idx.msk $0xffff, v16;
	v16 =	vadd.s32 v9, v37  }
0x128: {  	v58 =	vld [tilespmem:s30+$0x90];
	[tilespmem:v63+s22+$0x0] =	vst.idx.msk $0xffff, v17;
	v17 =	vadd.s32 v10, v37  }
0x129: {  	v43 =	vadd.s32 v11, v37;
	[tilespmem:v39+s22+$0x0] =	vst.idx.msk $0xffff, v32;
	v56 =	vld [tilespmem:s30+$0x80]  }
0x12a: {  	v45 =	vadd.s32 v12, v37;
	v59 =	vld [tilespmem:s30+$0xA0];
	[tilespmem:v33+s22+$0x0] =	vst.idx.msk $0xffff, v60  }
0x12b: {  	v47 =	vadd.s32 v13, v37;
	v60 =	vld [tilespmem:s30+$0xB0];
	[tilespmem:v53+s22+$0x0] =	vst.idx.msk $0xffff, v48  }
0x12c: {  	[tilespmem:v16+s22+$0x0] =	vst.idx.msk $0xffff, v35;
	v16 =	vadd.s32 v14, v37  }
0x12d: {  	[tilespmem:v17+s22+$0x0] =	vst.idx.msk $0xffff, v38;
	v17 =	vadd.s32 v15, v37  }
0x12e: {  	v36 =	vadd.s32 v15, v30;
	[tilespmem:v43+s22+$0x0] =	vst.idx.msk $0xffff, v40  }
0x12f: {  	v55 =	vadd.s32 v9, v51;
	[tilespmem:v45+s22+$0x0] =	vst.idx.msk $0xffff, v41  }
0x130: {  	v57 =	vadd.s32 v10, v51;
	[tilespmem:v47+s22+$0x0] =	vst.idx.msk $0xffff, v42  }
0x131: {  	[tilespmem:v16+s22+$0x0] =	vst.idx.msk $0xffff, v44;
	v16 =	vadd.s32 v11, v51  }
0x132: {  	[tilespmem:v17+s22+$0x0] =	vst.idx.msk $0xffff, v46;
	v17 =	vadd.s32 v12, v51  }
0x133: {  	v61 =	vadd.s32 v13, v51;
	[tilespmem:v36+s22+$0x0] =	vst.idx.msk $0xffff, v62  }
0x134: {  	[tilespmem:v55+s22+$0x0] =	vst.idx.msk $0xffff, v50;
	v62 =	vadd.s32 v14, v51  }
0x135: {  	v63 =	vadd.s32 v15, v51;
	[tilespmem:v57+s22+$0x0] =	vst.idx.msk $0xffff, v52  }
0x136: {  	[tilespmem:v16+s22+$0x0] =	vst.idx.msk $0xffff, v54  }
0x137: {  	[tilespmem:v17+s22+$0x0] =	vst.idx.msk $0xffff, v56  }
0x138: {  	[tilespmem:v61+s22+$0x0] =	vst.idx.msk $0xffff, v58  }
0x139: {  	[tilespmem:v62+s22+$0x0] =	vst.idx.msk $0xffff, v59  }
0x13a: {  	s1 =	simm.s32 @!p0 $0x80;
	s11 =	simm.s32 @!p0 $0x10800;
	s0 =	sadd.s32 @!p0 $0x6700, s28;
	[tilespmem:v63+s22+$0x0] =	vst.idx.msk $0xffff, v60  }
0x13b: {  	[tilespmem:s11], [sflag:$0x2] =	stream.indirect.gather @!p0 [hbm4b:s4+s1], $0x40, s0, s1, $0xb8;
	[tilespmem:$0x1D000] =	vst v63  }
0x13c: {  	s0 =	sadd.s32 @!p0 $0x6780, s28;
	s11 =	simm.s32 @!p0 $0x12800  }
0x13d: {  	[tilespmem:s11], [sflag:$0x2] =	stream.indirect.gather @!p0 [hbm4b:s4+s1], $0x40, s0, s1, $0xb8;
	[tilespmem:$0x1D000] =	vst v63  }
0x13e: {  	s31 =	simm.s32 $0x18C00;
	s12 =	sadd.s32 s29, s7  }
0x13f: {  	[hbm4b:s12+s3] =	stream.linear.scatter [tilespmem:s31], [sflag:$0x4], $0x80, $0x38;
	[tilespmem:$0x1D000] =	vst v63  }
0x140: {  	s1 =	simm.s32 $0x18C88;
	s11 =	sadd.s32 $0x10, s12  }
0x141: {  	[hbm4b:s11+s3] =	stream.linear.scatter [tilespmem:s1], [sflag:$0x4], $0x80, $0x38;
	[tilespmem:$0x1D000] =	vst v63  }
0x142: {  	s29 =	simm.s32 $0x2200;
	s30 =	simm.s32 $0x18D10;
	s31 =	sadd.s32 $0x20, s12  }
0x143: {  	[hbm4b:s31+s3] =	stream.linear.scatter [tilespmem:s30], [sflag:$0x4], $0x80, $0x38;
	[tilespmem:$0x1D000] =	vst v63  }
0x144: {  	s28 =	sadd.s32 $0x1000, s12;
	s1 =	simm.s32 $0x18D98;
	s11 =	sadd.s32 $0x30, s12  }
0x145: {  	[hbm4b:s11+s3] =	stream.linear.scatter [tilespmem:s1], [sflag:$0x4], $0x80, $0x38;
	[tilespmem:$0x1D000] =	vst v63  }
0x146: {  	s0 =	simm.s32 $0x18FB8;
	s30 =	simm.s32 $0x18E20;
	s31 =	sadd.s32 $0x40, s12  }
0x147: {  	[hbm4b:s31+s3] =	stream.linear.scatter [tilespmem:s30], [sflag:$0x4], $0x80, $0x38;
	[tilespmem:$0x1D000] =	vst v63  }
0x148: {  	s1 =	simm.s32 $0x18EA8;
	s11 =	sadd.s32 $0x50, s12;
	s30 =	simm.s32 $0x18F30  }
0x149: {  	[hbm4b:s11+s3] =	stream.linear.scatter [tilespmem:s1], [sflag:$0x4], $0x80, $0x38;
	[tilespmem:$0x1D000] =	vst v63  }
0x14a: {  	s31 =	sadd.s32 $0x60, s12;
	s1 =	simm.s32 $0x440;
	s11 =	sadd.s32 $0x70, s12  }
0x14b: {  	[hbm4b:s31+s3] =	stream.linear.scatter [tilespmem:s30], [sflag:$0x4], $0x80, $0x38;
	[tilespmem:$0x1D000] =	vst v63  }
.LBB2_11:
0x14c: {  	[hbm4b:s11+s3] =	stream.linear.scatter [tilespmem:s0], [sflag:$0x4], $0x80, $0x38;
	[tilespmem:$0x1D000] =	vst v63  }
0x14d: {  	s0 =	smov.u32 s1;
	s1 =	smov.u32 s29  }
0x14e: {  	s12 =	sadd.s32 $0x1100, s29;
	s1 =	sshra.s32 s1, $0x2;
	s11 =	sadd.s32 $0x18C00, s0  }
0x14f: {  	[hbm4b:s28+s3] =	stream.linear.scatter [tilespmem:s11], [sflag:$0x4], $0x80, $0x38;
	[tilespmem:$0x1D000] =	vst v63  }
0x150: {  	p0 =	sne.s32 s29, $0xFF00;
	s29 =	sadd.s32 $0x10, s28;
	s11 =	sadd.s32 $0x18C88, s0  }
0x151: {  	[hbm4b:s29+s3] =	stream.linear.scatter [tilespmem:s11], [sflag:$0x4], $0x80, $0x38;
	[tilespmem:$0x1D000] =	vst v63  }
0x152: {  	s11 =	sadd.s32 $0x18D10, s0;
	s29 =	sadd.s32 $0x20, s28  }
0x153: {  	[hbm4b:s29+s3] =	stream.linear.scatter [tilespmem:s11], [sflag:$0x4], $0x80, $0x38;
	[tilespmem:$0x1D000] =	vst v63  }
0x154: {  	s11 =	sadd.s32 $0x18D98, s0;
	s29 =	sadd.s32 $0x30, s28  }
0x155: {  	[hbm4b:s29+s3] =	stream.linear.scatter [tilespmem:s11], [sflag:$0x4], $0x80, $0x38;
	[tilespmem:$0x1D000] =	vst v63  }
0x156: {  	s11 =	sadd.s32 $0x18E20, s0;
	s29 =	sadd.s32 $0x40, s28  }
0x157: {  	[hbm4b:s29+s3] =	stream.linear.scatter [tilespmem:s11], [sflag:$0x4], $0x80, $0x38;
	[tilespmem:$0x1D000] =	vst v63  }
.Ltmp4:
0x158: {  	s11 =	sadd.s32 $0x18EA8, s0;
	s29 =	sadd.s32 $0x50, s28;
	(pc) =	sbr.rel @p0 .LBB2_11-.Ltmp4, $4  }
0x159: {  	[hbm4b:s29+s3] =	stream.linear.scatter [tilespmem:s11], [sflag:$0x4], $0x80, $0x38;
	[tilespmem:$0x1D000] =	vst v63  }
0x15a: {  	s11 =	sadd.s32 $0x18F30, s0;
	s29 =	sadd.s32 $0x60, s28;
	s0 =	sadd.s32 $0x18FB8, s0  }
0x15b: {  	[hbm4b:s29+s3] =	stream.linear.scatter [tilespmem:s11], [sflag:$0x4], $0x80, $0x38;
	[tilespmem:$0x1D000] =	vst v63  }
0x15c: {  	s11 =	sadd.s32 $0x70, s28;
	s28 =	sadd.s32 $0x1000, s28;
	s29 =	smov.u32 s12  }
0x15d: {  	[hbm4b:s11+s3] =	stream.linear.scatter [tilespmem:s0], [sflag:$0x4], $0x80, $0x38;
	[tilespmem:$0x1D000] =	vst v63  }
0x15e: {  	s29 =	sadd.s32 $0x18C00, s1  }
0x15f: {  	[hbm4b:s28+s3] =	stream.linear.scatter [tilespmem:s29], [sflag:$0x4], $0x80, $0x38;
	[tilespmem:$0x1D000] =	vst v63  }
0x160: {  	s30 =	sadd.s32 $0x18C88, s1;
	s31 =	sadd.s32 $0x10, s28  }
0x161: {  	[hbm4b:s31+s3] =	stream.linear.scatter [tilespmem:s30], [sflag:$0x4], $0x80, $0x38;
	[tilespmem:$0x1D000] =	vst v63  }
0x162: {  	s12 =	sadd.s32 $0x18D10, s1;
	s29 =	sadd.s32 $0x20, s28  }
0x163: {  	[hbm4b:s29+s3] =	stream.linear.scatter [tilespmem:s12], [sflag:$0x4], $0x80, $0x38;
	[tilespmem:$0x1D000] =	vst v63  }
0x164: {  	s30 =	sadd.s32 $0x18D98, s1;
	s31 =	sadd.s32 $0x30, s28  }
0x165: {  	[hbm4b:s31+s3] =	stream.linear.scatter [tilespmem:s30], [sflag:$0x4], $0x80, $0x38;
	[tilespmem:$0x1D000] =	vst v63  }
0x166: {  	s26 =	sadd.s32 $0x1, s26;
	s12 =	sadd.s32 $0x18E20, s1;
	s29 =	sadd.s32 $0x40, s28  }
0x167: {  	[hbm4b:s29+s3] =	stream.linear.scatter [tilespmem:s12], [sflag:$0x4], $0x80, $0x38;
	[tilespmem:$0x1D000] =	vst v63  }
0x168: {  	p0 =	sne.s32 s26, $0x32;
	s30 =	sadd.s32 $0x18EA8, s1;
	s31 =	sadd.s32 $0x50, s28  }
0x169: {  	[hbm4b:s31+s3] =	stream.linear.scatter [tilespmem:s30], [sflag:$0x4], $0x80, $0x38;
	[tilespmem:$0x1D000] =	vst v63  }
.Ltmp5:
0x16a: {  	_ = 	snop;
	(pc) =	sbr.rel @p0 .LBB2_4-.Ltmp5, $4  }
0x16b: {  	s12 =	sadd.s32 $0x18F30, s1;
	s29 =	sadd.s32 $0x60, s28  }
0x16c: {  	[hbm4b:s29+s3] =	stream.linear.scatter [tilespmem:s12], [sflag:$0x4], $0x80, $0x38;
	[tilespmem:$0x1D000] =	vst v63  }
0x16d: {  	s30 =	sadd.s32 $0x18FB8, s1;
	s31 =	sadd.s32 $0x70, s28  }
0x16e: {  	[hbm4b:s31+s3] =	stream.linear.scatter [tilespmem:s30], [sflag:$0x4], $0x80, $0x38;
	[tilespmem:$0x1D000] =	vst v63  }
0x16f: {  	s25 =	sadd.s32 $0x1, s25  }
0x170: {  	_ =	swait.ge [sflag:s23], $0x4000;
	p0 =	sne.s32 s25, s8  }
.Ltmp6:
0x171: {  	[sflag:s23] =	ssyncset.done $0x0;
	(pc) =	sbr.rel @p0 .LBB2_1-.Ltmp6, $4  }
0x172: {  	[sflag:s23] =	ssyncadd.s32 $0xFFFFC000  }
0x173: {  	_ =	swait.ge [sflag:s24], $0x4000  }
0x174: {  	[sflag:s24] =	ssyncset.done $0x0  }
0x175: {  	[sflag:s24] =	ssyncadd.s32 $0xFFFFC000  }
0x176: {  	_ =	sfence.sel $0x180000  }
0x177: {  	[bflag:$0x0] =	sbarrier.arrive $0xFFFF  }
0x178: {  	_ =	strace $0x90000047  }
0x179: {  	s0 =	stileid.u32;
	[bflag:$0x2] =	sbarrier.arrive $0xFFFF  }
0x17a: {  	p0 =	sne.s32 s0, $0x0;
	s0 =	rddreg [dreg:$0x2]  }
0x17b: {  	s0 =	sadd.s32 @!p0 $0x100000, s0  }
0x17c: {  	[sflag:s0] =	ssyncadd.tile.s32 @!p0 $0x1;
	_ =	shalt  }
.Lfunc_end2:
_tile_overlayer_lowered:
.L_overlay_start_2:
0x17d: {  	(tag) =	ssettag $0x2  }
0x17e: {  	s0 =	rddreg [dreg:$0x0];
	s2 =	stileid.u32  }
0x17f: {  	s1 =	rddreg [dreg:$0x1];
	p0 =	sne.s32 s2, $0x0  }
0x180: {  	s3 =	rddreg [dreg:$0x2];
	[bflag:$0x3] =	sbarrier.arrive $0xFFFF;
	s2 =	simm.s32 @!p0 $0x1C05  }
0x181: {  	[timem:s3], [sflag:s2] =	dma.local @!p0 [hbm:s0], s1  }
0x182: {  	s0 =	simm.s32 @!p0 $0x5  }
0x183: {  	_ =	swait.ge @!p0 [sflag:s0], s1  }
0x184: {  	s1 =	ssub.s32 @!p0 $0x0, s1;
	[sflag:s0] =	ssyncset.done @!p0 $0x0  }
0x185: {  	[sflag:s0] =	ssyncadd.s32 @!p0 s1  }
0x186: {  	[bflag:$0x3] =	sbarrier.arrive $0xFFFF  }
0x187: {  	_ =	shalt  }

</sc_bundles>
